<compile_context>
chip_gen: v7x
topology: tpu7x:2x2x1
jax: 0.10.2.dev20260603
libtpu: 0.0.44.dev20260713+nightly
codegen_flags: <defaults>
</compile_context>

<pallas_src>
import functools

import jax
import jax.numpy as jnp
from jax import lax
from jax.experimental import pallas as pl
from jax.experimental.pallas import tpu as pltpu, tpu_sc as plsc

N = 10000
E = 320000
D = 128
H = 128

NW = 32
RPW = 320
NPAD = RPW * NW
CHUNK = 2000
NCHUNKS = E // CHUNK
NVEC = CHUNK // 16
KB = 64
CPAD = 2048



def _matmul_kernel(x_ref, w_ref, o_ref):
    o_ref[...] = jnp.dot(x_ref[...], w_ref[...],
                         preferred_element_type=jnp.float32)


def _matmul(x, w):
    m, k = x.shape
    _, n = w.shape
    blk = 1000
    return pl.pallas_call(
        _matmul_kernel,
        grid=(m // blk,),
        in_specs=[pl.BlockSpec((blk, k), lambda i: (i, 0)),
                  pl.BlockSpec((k, n), lambda i: (0, 0))],
        out_specs=pl.BlockSpec((blk, n), lambda i: (i, 0)),
        out_shape=jax.ShapeDtypeStruct((m, n), jnp.float32),
    )(x, w)



def _dir_kernel(cs_ref, cd_ref, o_ref):
    d0 = cs_ref[0:1, :] - cd_ref[0:1, :]
    d1 = cs_ref[1:2, :] - cd_ref[1:2, :]
    d2 = cs_ref[2:3, :] - cd_ref[2:3, :]
    d3 = cs_ref[3:4, :] - cd_ref[3:4, :]
    s0 = d0 * d0
    s1 = d1 * d1
    s2 = d2 * d2
    s3 = d3 * d3
    nsq = (s0 + s2) + (s1 + s3)
    nrm = jnp.maximum(jnp.sqrt(nsq), 1e-12)
    o_ref[0:1, :] = d0 / nrm
    o_ref[1:2, :] = d1 / nrm
    o_ref[2:3, :] = d2 / nrm
    o_ref[3:4, :] = d3 / nrm


def _directions(cs_t, cd_t):
    blk = 6400
    return pl.pallas_call(
        _dir_kernel,
        grid=(E // blk,),
        in_specs=[pl.BlockSpec((4, blk), lambda i: (0, i)),
                  pl.BlockSpec((4, blk), lambda i: (0, i))],
        out_specs=pl.BlockSpec((4, blk), lambda i: (0, i)),
        out_shape=jax.ShapeDtypeStruct((4, E), jnp.float32),
    )(cs_t, cd_t)



def _sc_edge_body(src_hbm, dst_hbm, d0_hbm, d1_hbm, d2_hbm, d3_hbm, p_hbm, out_hbm,
                  src_c, dst_c, dc0, dc1, dc2, dc3, widx, widx_b, wdst,
                  wd0, wd1, wd2, wd3, rows, msgbuf, slab, sem):
    wid = lax.axis_index("s") * 2 + lax.axis_index("c")
    lo = wid * RPW

    zv = jnp.zeros((16,), jnp.float32)
    zi = jnp.zeros((16,), jnp.int32)

    def zrow(r, _):
        for f in range(8):
            slab[r, pl.ds(f * 16, 16)] = zv
        return 0

    lax.fori_loop(0, RPW, zrow, 0)

    def zidx(v, _):
        widx[pl.ds(v * 16, 16)] = zi
        wdst[pl.ds(v * 16, 16)] = zi
        return 0

    lax.fori_loop(0, CPAD // 16, zidx, 0)

    def chunk_body(g, _):
        base = g * CHUNK
        c1 = pltpu.async_copy(src_hbm.at[pl.ds(base, CHUNK)], src_c, sem)
        c2 = pltpu.async_copy(dst_hbm.at[pl.ds(base, CHUNK)], dst_c, sem)
        c3 = pltpu.async_copy(d0_hbm.at[pl.ds(base, CHUNK)], dc0, sem)
        c4 = pltpu.async_copy(d1_hbm.at[pl.ds(base, CHUNK)], dc1, sem)
        c5 = pltpu.async_copy(d2_hbm.at[pl.ds(base, CHUNK)], dc2, sem)
        c6 = pltpu.async_copy(d3_hbm.at[pl.ds(base, CHUNK)], dc3, sem)
        c1.wait()
        c2.wait()
        c3.wait()
        c4.wait()
        c5.wait()
        c6.wait()

        def scan_body(v, cnt):
            dv = dst_c[pl.ds(v * 16, 16)]
            m = (dv >= lo) & (dv < lo + RPW)
            inc = plsc.all_reduce_population_count(m)[0]

            @pl.when(inc > 0)
            def _():
                sv = src_c[pl.ds(v * 16, 16)]
                plsc.store_compressed(widx.at[pl.ds(cnt, 16)], sv, mask=m)
                plsc.store_compressed(wdst.at[pl.ds(cnt, 16)], dv - lo, mask=m)
                for dc, wd in ((dc0, wd0), (dc1, wd1), (dc2, wd2), (dc3, wd3)):
                    di = dc[pl.ds(v * 16, 16)]
                    plsc.store_compressed(wd.at[pl.ds(cnt, 16)], di, mask=m)

            return cnt + inc

        cnt = lax.fori_loop(0, NVEC, scan_body, jnp.int32(0))

        lane = lax.iota(jnp.int32, 16)
        zf = jnp.zeros((16,), jnp.float32)

        def batch_body(b, _):
            for u in range(KB // 16):
                widx_b[pl.ds(u * 16, 16)] = widx[pl.ds(b * KB + u * 16, 16)]
            pltpu.async_copy(p_hbm.at[widx_b], rows, sem).wait()
            cntv = jnp.full((16,), cnt, jnp.int32)

            def _abody(j, _):
                ev = jnp.full((16,), b * KB + j, jnp.int32)
                vmask = ev < cntv
                dd0 = jnp.where(vmask, plsc.load_gather(wd0, [ev]), zf)
                dd1 = jnp.where(vmask, plsc.load_gather(wd1, [ev]), zf)
                dd2 = jnp.where(vmask, plsc.load_gather(wd2, [ev]), zf)
                dd3 = jnp.where(vmask, plsc.load_gather(wd3, [ev]), zf)
                for f in range(8):
                    p0 = rows[j, pl.ds(f * 16, 16)]
                    p1 = rows[j, pl.ds(128 + f * 16, 16)]
                    p2 = rows[j, pl.ds(256 + f * 16, 16)]
                    p3 = rows[j, pl.ds(384 + f * 16, 16)]
                    msgbuf[j, pl.ds(f * 16, 16)] = (
                        (dd0 * p0 + dd1 * p1) + dd2 * p2) + dd3 * p3
                return 0

            lax.fori_loop(0, KB, _abody, 0)

            for u in range(KB // 16):
                doffv = wdst[pl.ds(b * KB + u * 16, 16)]
                for l in range(16):
                    j = u * 16 + l
                    doff = doffv[l]
                    for f in range(8):
                        plsc.addupdate(slab.at[doff, pl.ds(f * 16, 16)],
                                       msgbuf[j, pl.ds(f * 16, 16)])
            return 0

        def batch_body2(b, _):
            for u in range(KB // 16):
                widx_b[pl.ds(u * 16, 16)] = widx[pl.ds(b * KB + u * 16, 16)]
            pltpu.async_copy(p_hbm.at[widx_b], rows, sem).wait()
            return 0

        nb = (cnt + (KB - 1)) // KB
        lax.fori_loop(0, nb, batch_body2, 0)
        return 0

    lax.fori_loop(0, NCHUNKS, chunk_body, 0)

    pltpu.sync_copy(slab, out_hbm.at[pl.ds(lo, RPW)])


def _sc_edge(src, dst, dir_t, P):
    mesh = plsc.VectorSubcoreMesh(core_axis_name="c", subcore_axis_name="s")
    f = functools.partial(
        pl.kernel, _sc_edge_body, mesh=mesh,
        compiler_params=pltpu.CompilerParams(needs_layout_passes=False),
        out_type=jax.ShapeDtypeStruct((NPAD, H), jnp.float32),
        scratch_types=[
            pltpu.VMEM((CHUNK,), jnp.int32),
            pltpu.VMEM((CHUNK,), jnp.int32),
            pltpu.VMEM((CHUNK,), jnp.float32),
            pltpu.VMEM((CHUNK,), jnp.float32),
            pltpu.VMEM((CHUNK,), jnp.float32),
            pltpu.VMEM((CHUNK,), jnp.float32),
            pltpu.VMEM((CPAD,), jnp.int32),
            pltpu.VMEM((KB,), jnp.int32),
            pltpu.VMEM((CPAD,), jnp.int32),
            pltpu.VMEM((CPAD,), jnp.float32),
            pltpu.VMEM((CPAD,), jnp.float32),
            pltpu.VMEM((CPAD,), jnp.float32),
            pltpu.VMEM((CPAD,), jnp.float32),
            pltpu.VMEM((KB, 512), jnp.float32),
            pltpu.VMEM((1, H), jnp.float32),
            pltpu.VMEM((RPW, H), jnp.float32),
            pltpu.SemaphoreType.DMA,
        ],
    )()
    return f(src, dst, dir_t[0], dir_t[1], dir_t[2], dir_t[3], P)



def _clf_kernel(x_ref, wc1_ref, bc1_ref, wc2_ref, bc2_ref, o_ref):
    x = x_ref[...]
    hidden = jnp.maximum(x @ wc1_ref[...] + bc1_ref[...], 0.0)
    o_ref[...] = hidden @ wc2_ref[...] + bc2_ref[...]


def _clf(x, Wc1, bc1, Wc2, bc2):
    return pl.pallas_call(
        _clf_kernel,
        out_shape=jax.ShapeDtypeStruct((x.shape[0], Wc2.shape[1]), x.dtype),
    )(x, Wc1, bc1[None, :], Wc2, bc2[None, :])



def _layer_impl(h, direction_t, src, dst, W, gamma, beta, shortcut):
    Wcat = jnp.concatenate([W[0], W[1], W[2], W[3]], axis=1)
    P = _matmul(h, Wcat)
    agg = _sc_edge(src, dst, direction_t, P)[:N]
    act = jnp.maximum(agg, 0.0)
    mean = jnp.mean(act, axis=0)
    var = jnp.var(act, axis=0)
    out = (act - mean) / jnp.sqrt(var + 1e-5) * gamma + beta
    if shortcut:
        out = out + h
    return out


def kernel(feature, sp_embeddings, edge_index, W1, g1, b1, W2, g2, b2, Wc1, bc1, Wc2, bc2):
    src = edge_index[0].astype(jnp.int32)
    dst = edge_index[1].astype(jnp.int32)
    c = sp_embeddings
    direction_t = _directions(c[src].T, c[dst].T)
    h1 = _layer_impl(feature, direction_t, src, dst, W1, g1, b1, False)
    logits = _clf(jnp.sum(h1, axis=0, keepdims=True), Wc1, bc1, Wc2, bc2)
    h2 = _layer_impl(h1, direction_t, src, dst, W2, g2, b2, True)
    logits = logits + _clf(jnp.sum(h2, axis=0, keepdims=True), Wc1, bc1, Wc2, bc2)
    return logits

# --- scband reference (transcript-rebuilt; emitter-appended) ---
"""Pipeline reference for scband-agcn-56684978372722 (READ-ONLY COPY).

The authoritative reference and input builder live on the scoring server;
editing this copy changes nothing except your own understanding.
"""

import jax, jax.numpy as jnp
import numpy as np

N = 10000
E = 320000
D = 128
EMB = 4
H = 128
C = 10


def setup_inputs(seed: int = 0) -> dict:
    key = jax.random.key(seed)
    ks = jax.random.split(key, 10)
    feature = jax.random.normal(ks[0], (N, D), dtype=jnp.float32)
    sp_embeddings = jax.random.normal(ks[1], (N, EMB), dtype=jnp.float32)
    edge_index = jax.random.randint(ks[2], (2, E), 0, N)
    W1 = jax.random.normal(ks[3], (EMB, D, H), dtype=jnp.float32) * 0.05
    g1 = jnp.ones((H,), dtype=jnp.float32)
    b1 = jnp.zeros((H,), dtype=jnp.float32)
    W2 = jax.random.normal(ks[4], (EMB, H, H), dtype=jnp.float32) * 0.05
    g2 = jnp.ones((H,), dtype=jnp.float32)
    b2 = jnp.zeros((H,), dtype=jnp.float32)
    Wc1 = jax.random.normal(ks[5], (H, H // 2), dtype=jnp.float32) * 0.05
    bc1 = jnp.zeros((H // 2,), dtype=jnp.float32)
    Wc2 = jax.random.normal(ks[6], (H // 2, C), dtype=jnp.float32) * 0.05
    bc2 = jnp.zeros((C,), dtype=jnp.float32)
    return {
        'feature': feature, 'sp_embeddings': sp_embeddings, 'edge_index': edge_index,
        'W1': W1, 'g1': g1, 'b1': b1, 'W2': W2, 'g2': g2, 'b2': b2,
        'Wc1': Wc1, 'bc1': bc1, 'Wc2': Wc2, 'bc2': bc2,
    }


def _layer(h, c, src, dst, W, gamma, beta, shortcut):
    # message: direction = normalize(c_src - c_dst); msg = einsum('bi,ijk,bj->bk', direction, W, h_src)
    diff = c[src] - c[dst]
    nrm = jnp.sqrt(jnp.sum(diff * diff, axis=1, keepdims=True))
    direction = diff / jnp.maximum(nrm, 1e-12)
    hs = h[src]
    msg = jnp.zeros((hs.shape[0], W.shape[2]), dtype=h.dtype)
    for i in range(W.shape[0]):
        msg = msg + direction[:, i:i + 1] * (hs @ W[i])
    # aggregate: sum of incoming messages at dst
    agg = jax.ops.segment_sum(msg, dst, num_segments=h.shape[0])
    act = jnp.maximum(agg, 0.0)
    # BatchNorm1d in training mode (batch statistics, biased variance)
    mean = jnp.mean(act, axis=0)
    var = jnp.var(act, axis=0)
    out = (act - mean) / jnp.sqrt(var + 1e-5) * gamma + beta
    if shortcut:
        out = out + h
    return out


def _clf(x, Wc1, bc1, Wc2, bc2):
    return jnp.maximum(x @ Wc1 + bc1, 0.0) @ Wc2 + bc2


def reference(feature, sp_embeddings, edge_index, W1, g1, b1, W2, g2, b2, Wc1, bc1, Wc2, bc2):
    src = edge_index[0]
    dst = edge_index[1]
    h1 = _layer(feature, sp_embeddings, src, dst, W1, g1, b1, False)
    logits = _clf(jnp.sum(h1, axis=0, keepdims=True), Wc1, bc1, Wc2, bc2)
    h2 = _layer(h1, sp_embeddings, src, dst, W2, g2, b2, True)
    logits = logits + _clf(jnp.sum(h2, axis=0, keepdims=True), Wc1, bc1, Wc2, bc2)
    return logits

if __name__ == "__main__":
    import jax
    _d = setup_inputs()
    print(jax.jit(kernel)(*tuple(_d.values())))

</pallas_src>

<mosaic_0001>
#map = affine_map<(d0, d1) -> (0)>
#map1 = affine_map<(d0, d1) -> (0, 0)>
module attributes {stable_mosaic.version = 14 : i64} {
  func.func @_sc_edge_body(%arg0: i32, %arg1: i32, %arg2: memref<320000xi32, #tpu.memory_space<hbm>>, %arg3: memref<320000xi32, #tpu.memory_space<hbm>>, %arg4: memref<320000xf32, #tpu.memory_space<hbm>>, %arg5: memref<320000xf32, #tpu.memory_space<hbm>>, %arg6: memref<320000xf32, #tpu.memory_space<hbm>>, %arg7: memref<320000xf32, #tpu.memory_space<hbm>>, %arg8: memref<10000x512xf32, #tpu.memory_space<hbm>>, %arg9: memref<10240x128xf32, #tpu.memory_space<hbm>>, %arg10: memref<2000xi32, #tpu.memory_space<vmem>>, %arg11: memref<2000xi32, #tpu.memory_space<vmem>>, %arg12: memref<2000xf32, #tpu.memory_space<vmem>>, %arg13: memref<2000xf32, #tpu.memory_space<vmem>>, %arg14: memref<2000xf32, #tpu.memory_space<vmem>>, %arg15: memref<2000xf32, #tpu.memory_space<vmem>>, %arg16: memref<2048xi32, #tpu.memory_space<vmem>>, %arg17: memref<64xi32, #tpu.memory_space<vmem>>, %arg18: memref<2048xi32, #tpu.memory_space<vmem>>, %arg19: memref<2048xf32, #tpu.memory_space<vmem>>, %arg20: memref<2048xf32, #tpu.memory_space<vmem>>, %arg21: memref<2048xf32, #tpu.memory_space<vmem>>, %arg22: memref<2048xf32, #tpu.memory_space<vmem>>, %arg23: memref<64x512xf32, #tpu.memory_space<vmem>>, %arg24: memref<1x128xf32, #tpu.memory_space<vmem>>, %arg25: memref<320x128xf32, #tpu.memory_space<vmem>>, %arg26: memref<!tpu.dma_semaphore, #tpu.memory_space<semaphore_mem>>) attributes {dimension_semantics = [#tpu.dimension_semantics<core_parallel>, #tpu.dimension_semantics<subcore_parallel>], iteration_bounds = array<i64: 2, 16>, scalar_prefetch = 0 : i64, scratch_operands = 17 : i64, tpu.core_type = #tpu.core_type<sc_vector_subcore>, window_params = [{transform_indices = #map}, {transform_indices = #map}, {transform_indices = #map}, {transform_indices = #map}, {transform_indices = #map}, {transform_indices = #map}, {transform_indices = #map1}, {transform_indices = #map1}]} {
    %mul3A = arith.constant 2 : i32
    %mul3A_0 = arith.muli %arg1, %mul3A : i32
    %add3A = arith.addi %mul3A_0, %arg0 : i32
    %mul3A_1 = arith.constant 320 : i32
    %mul3A_2 = arith.muli %add3A, %mul3A_1 : i32
    %broadcast_in_dim3A = arith.constant 0.000000e+00 : f32
    %broadcast_in_dim3A_3 = vector.broadcast %broadcast_in_dim3A : f32 to vector<16xf32>
    %broadcast_in_dim3A_4 = arith.constant 0 : i32
    %broadcast_in_dim3A_5 = vector.broadcast %broadcast_in_dim3A_4 : i32 to vector<16xi32>
    %scan3A = arith.constant 0 : i32
    %scan3A_6 = arith.constant 0 : i32
    %scan3A_7 = arith.constant 320 : i32
    %scan3A_8 = arith.addi %scan3A_6, %scan3A_7 : i32
    %scan3A_9 = arith.constant 1 : i32
    %scan3A_10 = scf.for %scan3A_26 = %scan3A_6 to %scan3A_8 step %scan3A_9 iter_args(%scan3A_27 = %scan3A) -> (i32)  : i32 {
      %swap3A = arith.index_cast %scan3A_26 : i32 to index
      %swap3A_28 = arith.constant 0 : index
      %swap3A_29 = tpu.vector_load %arg25[%swap3A, %swap3A_28] {strides = array<i32>} : memref<320x128xf32, #tpu.memory_space<vmem>>, vector<16xf32>,
      tpu.vector_store %arg25[%swap3A, %swap3A_28], %broadcast_in_dim3A_3 {strides = array<i32>} : memref<320x128xf32, #tpu.memory_space<vmem>>, vector<16xf32>,
      %swap3A_30 = arith.index_cast %scan3A_26 : i32 to index
      %swap3A_31 = arith.constant 16 : index
      %swap3A_32 = tpu.vector_load %arg25[%swap3A_30, %swap3A_31] {strides = array<i32>} : memref<320x128xf32, #tpu.memory_space<vmem>>, vector<16xf32>,
      tpu.vector_store %arg25[%swap3A_30, %swap3A_31], %broadcast_in_dim3A_3 {strides = array<i32>} : memref<320x128xf32, #tpu.memory_space<vmem>>, vector<16xf32>,
      %swap3A_33 = arith.index_cast %scan3A_26 : i32 to index
      %swap3A_34 = arith.constant 32 : index
      %swap3A_35 = tpu.vector_load %arg25[%swap3A_33, %swap3A_34] {strides = array<i32>} : memref<320x128xf32, #tpu.memory_space<vmem>>, vector<16xf32>,
      tpu.vector_store %arg25[%swap3A_33, %swap3A_34], %broadcast_in_dim3A_3 {strides = array<i32>} : memref<320x128xf32, #tpu.memory_space<vmem>>, vector<16xf32>,
      %swap3A_36 = arith.index_cast %scan3A_26 : i32 to index
      %swap3A_37 = arith.constant 48 : index
      %swap3A_38 = tpu.vector_load %arg25[%swap3A_36, %swap3A_37] {strides = array<i32>} : memref<320x128xf32, #tpu.memory_space<vmem>>, vector<16xf32>,
      tpu.vector_store %arg25[%swap3A_36, %swap3A_37], %broadcast_in_dim3A_3 {strides = array<i32>} : memref<320x128xf32, #tpu.memory_space<vmem>>, vector<16xf32>,
      %swap3A_39 = arith.index_cast %scan3A_26 : i32 to index
      %swap3A_40 = arith.constant 64 : index
      %swap3A_41 = tpu.vector_load %arg25[%swap3A_39, %swap3A_40] {strides = array<i32>} : memref<320x128xf32, #tpu.memory_space<vmem>>, vector<16xf32>,
      tpu.vector_store %arg25[%swap3A_39, %swap3A_40], %broadcast_in_dim3A_3 {strides = array<i32>} : memref<320x128xf32, #tpu.memory_space<vmem>>, vector<16xf32>,
      %swap3A_42 = arith.index_cast %scan3A_26 : i32 to index
      %swap3A_43 = arith.constant 80 : index
      %swap3A_44 = tpu.vector_load %arg25[%swap3A_42, %swap3A_43] {strides = array<i32>} : memref<320x128xf32, #tpu.memory_space<vmem>>, vector<16xf32>,
      tpu.vector_store %arg25[%swap3A_42, %swap3A_43], %broadcast_in_dim3A_3 {strides = array<i32>} : memref<320x128xf32, #tpu.memory_space<vmem>>, vector<16xf32>,
      %swap3A_45 = arith.index_cast %scan3A_26 : i32 to index
      %swap3A_46 = arith.constant 96 : index
      %swap3A_47 = tpu.vector_load %arg25[%swap3A_45, %swap3A_46] {strides = array<i32>} : memref<320x128xf32, #tpu.memory_space<vmem>>, vector<16xf32>,
      tpu.vector_store %arg25[%swap3A_45, %swap3A_46], %broadcast_in_dim3A_3 {strides = array<i32>} : memref<320x128xf32, #tpu.memory_space<vmem>>, vector<16xf32>,
      %swap3A_48 = arith.index_cast %scan3A_26 : i32 to index
      %swap3A_49 = arith.constant 112 : index
      %swap3A_50 = tpu.vector_load %arg25[%swap3A_48, %swap3A_49] {strides = array<i32>} : memref<320x128xf32, #tpu.memory_space<vmem>>, vector<16xf32>,
      tpu.vector_store %arg25[%swap3A_48, %swap3A_49], %broadcast_in_dim3A_3 {strides = array<i32>} : memref<320x128xf32, #tpu.memory_space<vmem>>, vector<16xf32>,
      %scan3A_51 = arith.constant 0 : i32
      scf.yield %scan3A_51 : i32
    }
    %scan3A_11 = arith.constant 320 : i32
    %scan3A_12 = arith.constant 0 : i32
    %scan3A_13 = arith.constant 0 : i32
    %scan3A_14 = arith.constant 128 : i32
    %scan3A_15 = arith.addi %scan3A_13, %scan3A_14 : i32
    %scan3A_16 = arith.constant 1 : i32
    %scan3A_17 = scf.for %scan3A_26 = %scan3A_13 to %scan3A_15 step %scan3A_16 iter_args(%scan3A_27 = %scan3A_12) -> (i32)  : i32 {
      %mul3A_28 = arith.constant 16 : i32
      %mul3A_29 = arith.muli %scan3A_26, %mul3A_28 : i32
      %swap3A = arith.index_cast %mul3A_29 : i32 to index
      %swap3A_30 = tpu.vector_load %arg16[%swap3A] {strides = array<i32>} : memref<2048xi32, #tpu.memory_space<vmem>>, vector<16xi32>,
      tpu.vector_store %arg16[%swap3A], %broadcast_in_dim3A_5 {strides = array<i32>} : memref<2048xi32, #tpu.memory_space<vmem>>, vector<16xi32>,
      %mul3A_31 = arith.constant 16 : i32
      %mul3A_32 = arith.muli %scan3A_26, %mul3A_31 : i32
      %swap3A_33 = arith.index_cast %mul3A_32 : i32 to index
      %swap3A_34 = tpu.vector_load %arg18[%swap3A_33] {strides = array<i32>} : memref<2048xi32, #tpu.memory_space<vmem>>, vector<16xi32>,
      tpu.vector_store %arg18[%swap3A_33], %broadcast_in_dim3A_5 {strides = array<i32>} : memref<2048xi32, #tpu.memory_space<vmem>>, vector<16xi32>,
      %scan3A_35 = arith.constant 0 : i32
      scf.yield %scan3A_35 : i32
    }
    %scan3A_18 = arith.constant 128 : i32
    %scan3A_19 = arith.constant 0 : i32
    %scan3A_20 = arith.constant 0 : i32
    %scan3A_21 = arith.constant 160 : i32
    %scan3A_22 = arith.addi %scan3A_20, %scan3A_21 : i32
    %scan3A_23 = arith.constant 1 : i32
    %scan3A_24 = scf.for %scan3A_26 = %scan3A_20 to %scan3A_22 step %scan3A_23 iter_args(%scan3A_27 = %scan3A_19) -> (i32)  : i32 {
      %mul3A_28 = arith.constant 2000 : i32
      %mul3A_29 = arith.muli %scan3A_26, %mul3A_28 : i32
      %dma_start3A = tpu.memref_slice %arg2[%mul3A_29] : memref<320000xi32, #tpu.memory_space<hbm>> -> memref<2000xi32, #tpu.memory_space<hbm>>
      %dma_start3A_30 = tpu.memref_slice %arg2[%mul3A_29] : memref<320000xi32, #tpu.memory_space<hbm>> -> memref<2000xi32, #tpu.memory_space<hbm>>
      tpu.enqueue_dma source(%dma_start3A_30 : memref<2000xi32, #tpu.memory_space<hbm>>) target(%arg10 : memref<2000xi32, #tpu.memory_space<vmem>>) target_semaphore(%arg26 : memref<!tpu.dma_semaphore, #tpu.memory_space<semaphore_mem>>)
      %dma_start3A_31 = tpu.memref_slice %arg3[%mul3A_29] : memref<320000xi32, #tpu.memory_space<hbm>> -> memref<2000xi32, #tpu.memory_space<hbm>>
      %dma_start3A_32 = tpu.memref_slice %arg3[%mul3A_29] : memref<320000xi32, #tpu.memory_space<hbm>> -> memref<2000xi32, #tpu.memory_space<hbm>>
      tpu.enqueue_dma source(%dma_start3A_32 : memref<2000xi32, #tpu.memory_space<hbm>>) target(%arg11 : memref<2000xi32, #tpu.memory_space<vmem>>) target_semaphore(%arg26 : memref<!tpu.dma_semaphore, #tpu.memory_space<semaphore_mem>>)
      %dma_start3A_33 = tpu.memref_slice %arg4[%mul3A_29] : memref<320000xf32, #tpu.memory_space<hbm>> -> memref<2000xf32, #tpu.memory_space<hbm>>
      %dma_start3A_34 = tpu.memref_slice %arg4[%mul3A_29] : memref<320000xf32, #tpu.memory_space<hbm>> -> memref<2000xf32, #tpu.memory_space<hbm>>
      tpu.enqueue_dma source(%dma_start3A_34 : memref<2000xf32, #tpu.memory_space<hbm>>) target(%arg12 : memref<2000xf32, #tpu.memory_space<vmem>>) target_semaphore(%arg26 : memref<!tpu.dma_semaphore, #tpu.memory_space<semaphore_mem>>)
      %dma_start3A_35 = tpu.memref_slice %arg5[%mul3A_29] : memref<320000xf32, #tpu.memory_space<hbm>> -> memref<2000xf32, #tpu.memory_space<hbm>>
      %dma_start3A_36 = tpu.memref_slice %arg5[%mul3A_29] : memref<320000xf32, #tpu.memory_space<hbm>> -> memref<2000xf32, #tpu.memory_space<hbm>>
      tpu.enqueue_dma source(%dma_start3A_36 : memref<2000xf32, #tpu.memory_space<hbm>>) target(%arg13 : memref<2000xf32, #tpu.memory_space<vmem>>) target_semaphore(%arg26 : memref<!tpu.dma_semaphore, #tpu.memory_space<semaphore_mem>>)
      %dma_start3A_37 = tpu.memref_slice %arg6[%mul3A_29] : memref<320000xf32, #tpu.memory_space<hbm>> -> memref<2000xf32, #tpu.memory_space<hbm>>
      %dma_start3A_38 = tpu.memref_slice %arg6[%mul3A_29] : memref<320000xf32, #tpu.memory_space<hbm>> -> memref<2000xf32, #tpu.memory_space<hbm>>
      tpu.enqueue_dma source(%dma_start3A_38 : memref<2000xf32, #tpu.memory_space<hbm>>) target(%arg14 : memref<2000xf32, #tpu.memory_space<vmem>>) target_semaphore(%arg26 : memref<!tpu.dma_semaphore, #tpu.memory_space<semaphore_mem>>)
      %dma_start3A_39 = tpu.memref_slice %arg7[%mul3A_29] : memref<320000xf32, #tpu.memory_space<hbm>> -> memref<2000xf32, #tpu.memory_space<hbm>>
      %dma_start3A_40 = tpu.memref_slice %arg7[%mul3A_29] : memref<320000xf32, #tpu.memory_space<hbm>> -> memref<2000xf32, #tpu.memory_space<hbm>>
      tpu.enqueue_dma source(%dma_start3A_40 : memref<2000xf32, #tpu.memory_space<hbm>>) target(%arg15 : memref<2000xf32, #tpu.memory_space<vmem>>) target_semaphore(%arg26 : memref<!tpu.dma_semaphore, #tpu.memory_space<semaphore_mem>>)
      %dma_wait3A = tpu.memref_slice %arg2[%mul3A_29] : memref<320000xi32, #tpu.memory_space<hbm>> -> memref<2000xi32, #tpu.memory_space<hbm>>
      %dma_wait3A_41 = tpu.memref_slice %arg2[%mul3A_29] : memref<320000xi32, #tpu.memory_space<hbm>> -> memref<2000xi32, #tpu.memory_space<hbm>>
      tpu.wait_dma2 semaphore(%arg26 : memref<!tpu.dma_semaphore, #tpu.memory_space<semaphore_mem>>) src(%dma_wait3A_41 : memref<2000xi32, #tpu.memory_space<hbm>>) dst(%arg10 : memref<2000xi32, #tpu.memory_space<vmem>>)
      %dma_wait3A_42 = tpu.memref_slice %arg3[%mul3A_29] : memref<320000xi32, #tpu.memory_space<hbm>> -> memref<2000xi32, #tpu.memory_space<hbm>>
      %dma_wait3A_43 = tpu.memref_slice %arg3[%mul3A_29] : memref<320000xi32, #tpu.memory_space<hbm>> -> memref<2000xi32, #tpu.memory_space<hbm>>
      tpu.wait_dma2 semaphore(%arg26 : memref<!tpu.dma_semaphore, #tpu.memory_space<semaphore_mem>>) src(%dma_wait3A_43 : memref<2000xi32, #tpu.memory_space<hbm>>) dst(%arg11 : memref<2000xi32, #tpu.memory_space<vmem>>)
      %dma_wait3A_44 = tpu.memref_slice %arg4[%mul3A_29] : memref<320000xf32, #tpu.memory_space<hbm>> -> memref<2000xf32, #tpu.memory_space<hbm>>
      %dma_wait3A_45 = tpu.memref_slice %arg4[%mul3A_29] : memref<320000xf32, #tpu.memory_space<hbm>> -> memref<2000xf32, #tpu.memory_space<hbm>>
      tpu.wait_dma2 semaphore(%arg26 : memref<!tpu.dma_semaphore, #tpu.memory_space<semaphore_mem>>) src(%dma_wait3A_45 : memref<2000xf32, #tpu.memory_space<hbm>>) dst(%arg12 : memref<2000xf32, #tpu.memory_space<vmem>>)
      %dma_wait3A_46 = tpu.memref_slice %arg5[%mul3A_29] : memref<320000xf32, #tpu.memory_space<hbm>> -> memref<2000xf32, #tpu.memory_space<hbm>>
      %dma_wait3A_47 = tpu.memref_slice %arg5[%mul3A_29] : memref<320000xf32, #tpu.memory_space<hbm>> -> memref<2000xf32, #tpu.memory_space<hbm>>
      tpu.wait_dma2 semaphore(%arg26 : memref<!tpu.dma_semaphore, #tpu.memory_space<semaphore_mem>>) src(%dma_wait3A_47 : memref<2000xf32, #tpu.memory_space<hbm>>) dst(%arg13 : memref<2000xf32, #tpu.memory_space<vmem>>)
      %dma_wait3A_48 = tpu.memref_slice %arg6[%mul3A_29] : memref<320000xf32, #tpu.memory_space<hbm>> -> memref<2000xf32, #tpu.memory_space<hbm>>
      %dma_wait3A_49 = tpu.memref_slice %arg6[%mul3A_29] : memref<320000xf32, #tpu.memory_space<hbm>> -> memref<2000xf32, #tpu.memory_space<hbm>>
      tpu.wait_dma2 semaphore(%arg26 : memref<!tpu.dma_semaphore, #tpu.memory_space<semaphore_mem>>) src(%dma_wait3A_49 : memref<2000xf32, #tpu.memory_space<hbm>>) dst(%arg14 : memref<2000xf32, #tpu.memory_space<vmem>>)
      %dma_wait3A_50 = tpu.memref_slice %arg7[%mul3A_29] : memref<320000xf32, #tpu.memory_space<hbm>> -> memref<2000xf32, #tpu.memory_space<hbm>>
      %dma_wait3A_51 = tpu.memref_slice %arg7[%mul3A_29] : memref<320000xf32, #tpu.memory_space<hbm>> -> memref<2000xf32, #tpu.memory_space<hbm>>
      tpu.wait_dma2 semaphore(%arg26 : memref<!tpu.dma_semaphore, #tpu.memory_space<semaphore_mem>>) src(%dma_wait3A_51 : memref<2000xf32, #tpu.memory_space<hbm>>) dst(%arg15 : memref<2000xf32, #tpu.memory_space<vmem>>)
      %scan3A_52 = arith.constant 0 : i32
      %scan3A_53 = arith.constant 0 : i32
      %scan3A_54 = arith.constant 125 : i32
      %scan3A_55 = arith.addi %scan3A_53, %scan3A_54 : i32
      %scan3A_56 = arith.constant 1 : i32
      %scan3A_57 = scf.for %scan3A_91 = %scan3A_53 to %scan3A_55 step %scan3A_56 iter_args(%scan3A_92 = %scan3A_52) -> (i32)  : i32 {
        %mul3A_93 = arith.constant 16 : i32
        %mul3A_94 = arith.muli %scan3A_91, %mul3A_93 : i32
        %get3A = arith.index_cast %mul3A_94 : i32 to index
        %get3A_95 = tpu.vector_load %arg11[%get3A] {strides = array<i32>} : memref<2000xi32, #tpu.memory_space<vmem>>, vector<16xi32>,
        %ge3A = vector.broadcast %mul3A_2 : i32 to vector<16xi32>
        %ge3A_96 = arith.cmpi sge, %get3A_95, %ge3A : vector<16xi32>
        %add3A_97 = arith.constant 320 : i32
        %add3A_98 = arith.addi %mul3A_2, %add3A_97 : i32
        %lt3A = vector.broadcast %add3A_98 : i32 to vector<16xi32>
        %lt3A_99 = arith.cmpi slt, %get3A_95, %lt3A : vector<16xi32>
        %and3A_100 = arith.andi %ge3A_96, %lt3A_99 : vector<16xi1>
        %all_reduce_population_count3A = tpu.all_reduce %and3A_100 {dim = 0 : i64, kind = #tpu.reduction_kind<sum>} : vector<16xi1> -> vector<16xi32>
        %slice3A = vector.extract_strided_slice %all_reduce_population_count3A {offsets = [0], sizes = [1], strides = [1]} : vector<16xi32> to vector<1xi32>
        %squeeze3A = vector.extract %slice3A[0] : i32 from vector<1xi32>
        %gt3A = arith.constant 0 : i32
        %gt3A_101 = arith.cmpi sgt, %squeeze3A, %gt3A : i32
        %convert_element_type3A = arith.extui %gt3A_101 : i1 to i32
        %cond3A = arith.constant 0 : i32
        %cond3A_102 = arith.cmpi ne, %convert_element_type3A, %cond3A : i32
        scf.if %cond3A_102 {
          %mul3A_104 = arith.constant 16 : i32
          %mul3A_105 = arith.muli %scan3A_91, %mul3A_104 : i32
          %get3A_106 = arith.index_cast %mul3A_105 : i32 to index
          %get3A_107 = tpu.vector_load %arg10[%get3A_106] {strides = array<i32>} : memref<2000xi32, #tpu.memory_space<vmem>>, vector<16xi32>,
          %swap3A = arith.index_cast %scan3A_92 : i32 to index
          %swap3A_108 = tpu.vector_load %arg16[%swap3A] masked %and3A_100 {strides = array<i32>} : memref<2048xi32, #tpu.memory_space<vmem>>, vector<16xi32>, vector<16xi1>
          tpu.vector_store %arg16[%swap3A], %get3A_107 masked %and3A_100 {strides = array<i32>} : memref<2048xi32, #tpu.memory_space<vmem>>, vector<16xi32>, vector<16xi1>
          %sub3A_109 = vector.broadcast %mul3A_2 : i32 to vector<16xi32>
          %sub3A_110 = arith.subi %get3A_95, %sub3A_109 : vector<16xi32>
          %swap3A_111 = arith.index_cast %scan3A_92 : i32 to index
          %swap3A_112 = tpu.vector_load %arg18[%swap3A_111] masked %and3A_100 {strides = array<i32>} : memref<2048xi32, #tpu.memory_space<vmem>>, vector<16xi32>, vector<16xi1>
          tpu.vector_store %arg18[%swap3A_111], %sub3A_110 masked %and3A_100 {strides = array<i32>} : memref<2048xi32, #tpu.memory_space<vmem>>, vector<16xi32>, vector<16xi1>
          %mul3A_113 = arith.constant 16 : i32
          %mul3A_114 = arith.muli %scan3A_91, %mul3A_113 : i32
          %get3A_115 = arith.index_cast %mul3A_114 : i32 to index
          %get3A_116 = tpu.vector_load %arg12[%get3A_115] {strides = array<i32>} : memref<2000xf32, #tpu.memory_space<vmem>>, vector<16xf32>,
          %swap3A_117 = arith.index_cast %scan3A_92 : i32 to index
          %swap3A_118 = tpu.vector_load %arg19[%swap3A_117] masked %and3A_100 {strides = array<i32>} : memref<2048xf32, #tpu.memory_space<vmem>>, vector<16xf32>, vector<16xi1>
          tpu.vector_store %arg19[%swap3A_117], %get3A_116 masked %and3A_100 {strides = array<i32>} : memref<2048xf32, #tpu.memory_space<vmem>>, vector<16xf32>, vector<16xi1>
          %mul3A_119 = arith.constant 16 : i32
          %mul3A_120 = arith.muli %scan3A_91, %mul3A_119 : i32
          %get3A_121 = arith.index_cast %mul3A_120 : i32 to index
          %get3A_122 = tpu.vector_load %arg13[%get3A_121] {strides = array<i32>} : memref<2000xf32, #tpu.memory_space<vmem>>, vector<16xf32>,
          %swap3A_123 = arith.index_cast %scan3A_92 : i32 to index
          %swap3A_124 = tpu.vector_load %arg20[%swap3A_123] masked %and3A_100 {strides = array<i32>} : memref<2048xf32, #tpu.memory_space<vmem>>, vector<16xf32>, vector<16xi1>
          tpu.vector_store %arg20[%swap3A_123], %get3A_122 masked %and3A_100 {strides = array<i32>} : memref<2048xf32, #tpu.memory_space<vmem>>, vector<16xf32>, vector<16xi1>
          %mul3A_125 = arith.constant 16 : i32
          %mul3A_126 = arith.muli %scan3A_91, %mul3A_125 : i32
          %get3A_127 = arith.index_cast %mul3A_126 : i32 to index
          %get3A_128 = tpu.vector_load %arg14[%get3A_127] {strides = array<i32>} : memref<2000xf32, #tpu.memory_space<vmem>>, vector<16xf32>,
          %swap3A_129 = arith.index_cast %scan3A_92 : i32 to index
          %swap3A_130 = tpu.vector_load %arg21[%swap3A_129] masked %and3A_100 {strides = array<i32>} : memref<2048xf32, #tpu.memory_space<vmem>>, vector<16xf32>, vector<16xi1>
          tpu.vector_store %arg21[%swap3A_129], %get3A_128 masked %and3A_100 {strides = array<i32>} : memref<2048xf32, #tpu.memory_space<vmem>>, vector<16xf32>, vector<16xi1>
          %mul3A_131 = arith.constant 16 : i32
          %mul3A_132 = arith.muli %scan3A_91, %mul3A_131 : i32
          %get3A_133 = arith.index_cast %mul3A_132 : i32 to index
          %get3A_134 = tpu.vector_load %arg15[%get3A_133] {strides = array<i32>} : memref<2000xf32, #tpu.memory_space<vmem>>, vector<16xf32>,
          %swap3A_135 = arith.index_cast %scan3A_92 : i32 to index
          %swap3A_136 = tpu.vector_load %arg22[%swap3A_135] masked %and3A_100 {strides = array<i32>} : memref<2048xf32, #tpu.memory_space<vmem>>, vector<16xf32>, vector<16xi1>
          tpu.vector_store %arg22[%swap3A_135], %get3A_134 masked %and3A_100 {strides = array<i32>} : memref<2048xf32, #tpu.memory_space<vmem>>, vector<16xf32>, vector<16xi1>
        } else {
        }
        %add3A_103 = arith.addi %scan3A_92, %squeeze3A : i32
        scf.yield %add3A_103 : i32
      }
      %scan3A_58 = arith.constant 125 : i32
      %iota3A = tpu.iota {dimensions = array<i32: 0>} : vector<16xi32>
      %broadcast_in_dim3A_59 = arith.constant 0.000000e+00 : f32
      %broadcast_in_dim3A_60 = vector.broadcast %broadcast_in_dim3A_59 : f32 to vector<16xf32>
      %add3A_61 = arith.constant 63 : i32
      %add3A_62 = arith.addi %scan3A_57, %add3A_61 : i32
      %jit3A = arith.constant 64 : i32
      %div3A = arith.divsi %add3A_62, %jit3A : i32
      %sign3A = arith.constant 0 : i32
      %sign3A_63 = arith.cmpi sgt, %add3A_62, %sign3A : i32
      %sign3A_64 = arith.extui %sign3A_63 : i1 to i32
      %sign3A_65 = arith.constant 0 : i32
      %sign3A_66 = arith.cmpi slt, %add3A_62, %sign3A_65 : i32
      %sign3A_67 = arith.extui %sign3A_66 : i1 to i32
      %sign3A_68 = arith.subi %sign3A_64, %sign3A_67 : i32
      %sign3A_69 = arith.constant 0 : i32
      %sign3A_70 = arith.cmpi sgt, %jit3A, %sign3A_69 : i32
      %sign3A_71 = arith.extui %sign3A_70 : i1 to i32
      %sign3A_72 = arith.constant 0 : i32
      %sign3A_73 = arith.cmpi slt, %jit3A, %sign3A_72 : i32
      %sign3A_74 = arith.extui %sign3A_73 : i1 to i32
      %sign3A_75 = arith.subi %sign3A_71, %sign3A_74 : i32
      %ne3A = arith.cmpi ne, %sign3A_68, %sign3A_75 : i32
      %rem3A = arith.remsi %add3A_62, %jit3A : i32
      %ne3A_76 = arith.constant 0 : i32
      %ne3A_77 = arith.cmpi ne, %rem3A, %ne3A_76 : i32
      %and3A = arith.andi %ne3A, %ne3A_77 : i1
      %sub3A = arith.constant 1 : i32
      %sub3A_78 = arith.subi %div3A, %sub3A : i32
      %select_n3A = arith.select %and3A, %sub3A_78, %div3A : i32
      %while3A = arith.constant 0 : i32
      %while3A_79 = arith.constant 0 : i32
      %while3A_80 = arith.subi %select_n3A, %while3A : i32
      %while3A_81 = arith.addi %while3A, %while3A_80 : i32
      %while3A_82 = arith.constant 1 : i32
      %while3A_83 = arith.divsi %while3A_80, %while3A_82 : i32
      %while3A_84 = arith.muli %while3A_83, %while3A_82 : i32
      %while3A_85 = arith.addi %while3A, %while3A_84 : i32
      %while3A_86 = arith.constant 1 : i32
      %while3A_87 = scf.for %while3A_91 = %while3A to %while3A_85 step %while3A_86 iter_args(%while3A_92 = %while3A_79) -> (i32)  : i32 {
        %mul3A_93 = arith.constant 64 : i32
        %mul3A_94 = arith.muli %while3A_91, %mul3A_93 : i32
        %add3A_95 = arith.constant 0 : i32
        %add3A_96 = arith.addi %mul3A_94, %add3A_95 : i32
        %get3A = arith.index_cast %add3A_96 : i32 to index
        %get3A_97 = tpu.vector_load %arg16[%get3A] {strides = array<i32>} : memref<2048xi32, #tpu.memory_space<vmem>>, vector<16xi32>,
        %swap3A = arith.constant 0 : index
        %swap3A_98 = tpu.vector_load %arg17[%swap3A] {strides = array<i32>} : memref<64xi32, #tpu.memory_space<vmem>>, vector<16xi32>,
        tpu.vector_store %arg17[%swap3A], %get3A_97 {strides = array<i32>} : memref<64xi32, #tpu.memory_space<vmem>>, vector<16xi32>,
        %mul3A_99 = arith.constant 64 : i32
        %mul3A_100 = arith.muli %while3A_91, %mul3A_99 : i32
        %add3A_101 = arith.constant 16 : i32
        %add3A_102 = arith.addi %mul3A_100, %add3A_101 : i32
        %get3A_103 = arith.index_cast %add3A_102 : i32 to index
        %get3A_104 = tpu.vector_load %arg16[%get3A_103] {strides = array<i32>} : memref<2048xi32, #tpu.memory_space<vmem>>, vector<16xi32>,
        %swap3A_105 = arith.constant 16 : index
        %swap3A_106 = tpu.vector_load %arg17[%swap3A_105] {strides = array<i32>} : memref<64xi32, #tpu.memory_space<vmem>>, vector<16xi32>,
        tpu.vector_store %arg17[%swap3A_105], %get3A_104 {strides = array<i32>} : memref<64xi32, #tpu.memory_space<vmem>>, vector<16xi32>,
        %mul3A_107 = arith.constant 64 : i32
        %mul3A_108 = arith.muli %while3A_91, %mul3A_107 : i32
        %add3A_109 = arith.constant 32 : i32
        %add3A_110 = arith.addi %mul3A_108, %add3A_109 : i32
        %get3A_111 = arith.index_cast %add3A_110 : i32 to index
        %get3A_112 = tpu.vector_load %arg16[%get3A_111] {strides = array<i32>} : memref<2048xi32, #tpu.memory_space<vmem>>, vector<16xi32>,
        %swap3A_113 = arith.constant 32 : index
        %swap3A_114 = tpu.vector_load %arg17[%swap3A_113] {strides = array<i32>} : memref<64xi32, #tpu.memory_space<vmem>>, vector<16xi32>,
        tpu.vector_store %arg17[%swap3A_113], %get3A_112 {strides = array<i32>} : memref<64xi32, #tpu.memory_space<vmem>>, vector<16xi32>,
        %mul3A_115 = arith.constant 64 : i32
        %mul3A_116 = arith.muli %while3A_91, %mul3A_115 : i32
        %add3A_117 = arith.constant 48 : i32
        %add3A_118 = arith.addi %mul3A_116, %add3A_117 : i32
        %get3A_119 = arith.index_cast %add3A_118 : i32 to index
        %get3A_120 = tpu.vector_load %arg16[%get3A_119] {strides = array<i32>} : memref<2048xi32, #tpu.memory_space<vmem>>, vector<16xi32>,
        %swap3A_121 = arith.constant 48 : index
        %swap3A_122 = tpu.vector_load %arg17[%swap3A_121] {strides = array<i32>} : memref<64xi32, #tpu.memory_space<vmem>>, vector<16xi32>,
        tpu.vector_store %arg17[%swap3A_121], %get3A_120 {strides = array<i32>} : memref<64xi32, #tpu.memory_space<vmem>>, vector<16xi32>,
        %dma_start3A_123 = arith.constant 0 : i32
        %dma_start3A_124 = arith.constant 0 : i32
        %dma_start3A_125 = tpu.memref_slice %arg8[%dma_start3A_123, %dma_start3A_124] : memref<10000x512xf32, #tpu.memory_space<hbm>> -> memref<10000x512xf32, #tpu.memory_space<hbm>>
        tpu.enqueue_indirect_dma source(%dma_start3A_125 : memref<10000x512xf32, #tpu.memory_space<hbm>>) target(%arg23 : memref<64x512xf32, #tpu.memory_space<vmem>>) offsets(%arg17 : memref<64xi32, #tpu.memory_space<vmem>>) semaphore(%arg26 : memref<!tpu.dma_semaphore, #tpu.memory_space<semaphore_mem>>)
        %dma_wait3A_126 = arith.constant 0 : i32
        %dma_wait3A_127 = arith.constant 0 : i32
        %dma_wait3A_128 = tpu.memref_slice %arg8[%dma_wait3A_126, %dma_wait3A_127] : memref<10000x512xf32, #tpu.memory_space<hbm>> -> memref<10000x512xf32, #tpu.memory_space<hbm>>
        tpu.wait_indirect_dma semaphore(%arg26 : memref<!tpu.dma_semaphore, #tpu.memory_space<semaphore_mem>>) src(%dma_wait3A_128 : memref<10000x512xf32, #tpu.memory_space<hbm>>) dst(%arg23 : memref<64x512xf32, #tpu.memory_space<vmem>>)
        %while3A_129 = arith.constant 0 : i32
        scf.yield %while3A_129 : i32
      }
      %while3A_88 = arith.constant 1 : i32
      %while3A_89 = scf.for %while3A_91 = %while3A_85 to %while3A_81 step %while3A_88 iter_args(%while3A_92 = %while3A_87) -> (i32)  : i32 {
        %mul3A_93 = arith.constant 64 : i32
        %mul3A_94 = arith.muli %while3A_91, %mul3A_93 : i32
        %add3A_95 = arith.constant 0 : i32
        %add3A_96 = arith.addi %mul3A_94, %add3A_95 : i32
        %get3A = arith.index_cast %add3A_96 : i32 to index
        %get3A_97 = tpu.vector_load %arg16[%get3A] {strides = array<i32>} : memref<2048xi32, #tpu.memory_space<vmem>>, vector<16xi32>,
        %swap3A = arith.constant 0 : index
        %swap3A_98 = tpu.vector_load %arg17[%swap3A] {strides = array<i32>} : memref<64xi32, #tpu.memory_space<vmem>>, vector<16xi32>,
        tpu.vector_store %arg17[%swap3A], %get3A_97 {strides = array<i32>} : memref<64xi32, #tpu.memory_space<vmem>>, vector<16xi32>,
        %mul3A_99 = arith.constant 64 : i32
        %mul3A_100 = arith.muli %while3A_91, %mul3A_99 : i32
        %add3A_101 = arith.constant 16 : i32
        %add3A_102 = arith.addi %mul3A_100, %add3A_101 : i32
        %get3A_103 = arith.index_cast %add3A_102 : i32 to index
        %get3A_104 = tpu.vector_load %arg16[%get3A_103] {strides = array<i32>} : memref<2048xi32, #tpu.memory_space<vmem>>, vector<16xi32>,
        %swap3A_105 = arith.constant 16 : index
        %swap3A_106 = tpu.vector_load %arg17[%swap3A_105] {strides = array<i32>} : memref<64xi32, #tpu.memory_space<vmem>>, vector<16xi32>,
        tpu.vector_store %arg17[%swap3A_105], %get3A_104 {strides = array<i32>} : memref<64xi32, #tpu.memory_space<vmem>>, vector<16xi32>,
        %mul3A_107 = arith.constant 64 : i32
        %mul3A_108 = arith.muli %while3A_91, %mul3A_107 : i32
        %add3A_109 = arith.constant 32 : i32
        %add3A_110 = arith.addi %mul3A_108, %add3A_109 : i32
        %get3A_111 = arith.index_cast %add3A_110 : i32 to index
        %get3A_112 = tpu.vector_load %arg16[%get3A_111] {strides = array<i32>} : memref<2048xi32, #tpu.memory_space<vmem>>, vector<16xi32>,
        %swap3A_113 = arith.constant 32 : index
        %swap3A_114 = tpu.vector_load %arg17[%swap3A_113] {strides = array<i32>} : memref<64xi32, #tpu.memory_space<vmem>>, vector<16xi32>,
        tpu.vector_store %arg17[%swap3A_113], %get3A_112 {strides = array<i32>} : memref<64xi32, #tpu.memory_space<vmem>>, vector<16xi32>,
        %mul3A_115 = arith.constant 64 : i32
        %mul3A_116 = arith.muli %while3A_91, %mul3A_115 : i32
        %add3A_117 = arith.constant 48 : i32
        %add3A_118 = arith.addi %mul3A_116, %add3A_117 : i32
        %get3A_119 = arith.index_cast %add3A_118 : i32 to index
        %get3A_120 = tpu.vector_load %arg16[%get3A_119] {strides = array<i32>} : memref<2048xi32, #tpu.memory_space<vmem>>, vector<16xi32>,
        %swap3A_121 = arith.constant 48 : index
        %swap3A_122 = tpu.vector_load %arg17[%swap3A_121] {strides = array<i32>} : memref<64xi32, #tpu.memory_space<vmem>>, vector<16xi32>,
        tpu.vector_store %arg17[%swap3A_121], %get3A_120 {strides = array<i32>} : memref<64xi32, #tpu.memory_space<vmem>>, vector<16xi32>,
        %dma_start3A_123 = arith.constant 0 : i32
        %dma_start3A_124 = arith.constant 0 : i32
        %dma_start3A_125 = tpu.memref_slice %arg8[%dma_start3A_123, %dma_start3A_124] : memref<10000x512xf32, #tpu.memory_space<hbm>> -> memref<10000x512xf32, #tpu.memory_space<hbm>>
        tpu.enqueue_indirect_dma source(%dma_start3A_125 : memref<10000x512xf32, #tpu.memory_space<hbm>>) target(%arg23 : memref<64x512xf32, #tpu.memory_space<vmem>>) offsets(%arg17 : memref<64xi32, #tpu.memory_space<vmem>>) semaphore(%arg26 : memref<!tpu.dma_semaphore, #tpu.memory_space<semaphore_mem>>)
        %dma_wait3A_126 = arith.constant 0 : i32
        %dma_wait3A_127 = arith.constant 0 : i32
        %dma_wait3A_128 = tpu.memref_slice %arg8[%dma_wait3A_126, %dma_wait3A_127] : memref<10000x512xf32, #tpu.memory_space<hbm>> -> memref<10000x512xf32, #tpu.memory_space<hbm>>
        tpu.wait_indirect_dma semaphore(%arg26 : memref<!tpu.dma_semaphore, #tpu.memory_space<semaphore_mem>>) src(%dma_wait3A_128 : memref<10000x512xf32, #tpu.memory_space<hbm>>) dst(%arg23 : memref<64x512xf32, #tpu.memory_space<vmem>>)
        %while3A_129 = arith.constant 0 : i32
        scf.yield %while3A_129 : i32
      }
      %scan3A_90 = arith.constant 0 : i32
      scf.yield %scan3A_90 : i32
    }
    %scan3A_25 = arith.constant 160 : i32
    "tpu.region"() ({
      %run_scoped3A = tpu.sem_alloc : memref<!tpu.dma_semaphore, #tpu.memory_space<semaphore_mem>>
      %dma_start3A = arith.constant 0 : i32
      %dma_start3A_26 = tpu.memref_slice %arg9[%mul3A_2, %dma_start3A] : memref<10240x128xf32, #tpu.memory_space<hbm>> -> memref<320x128xf32, #tpu.memory_space<hbm>>
      %dma_start3A_27 = arith.constant 0 : i32
      %dma_start3A_28 = tpu.memref_slice %arg9[%mul3A_2, %dma_start3A_27] : memref<10240x128xf32, #tpu.memory_space<hbm>> -> memref<320x128xf32, #tpu.memory_space<hbm>>
      tpu.enqueue_dma source(%arg25 : memref<320x128xf32, #tpu.memory_space<vmem>>) target(%dma_start3A_28 : memref<320x128xf32, #tpu.memory_space<hbm>>) target_semaphore(%run_scoped3A : memref<!tpu.dma_semaphore, #tpu.memory_space<semaphore_mem>>)
      %dma_wait3A = arith.constant 0 : i32
      %dma_wait3A_29 = tpu.memref_slice %arg9[%mul3A_2, %dma_wait3A] : memref<10240x128xf32, #tpu.memory_space<hbm>> -> memref<320x128xf32, #tpu.memory_space<hbm>>
      %dma_wait3A_30 = arith.constant 0 : i32
      %dma_wait3A_31 = tpu.memref_slice %arg9[%mul3A_2, %dma_wait3A_30] : memref<10240x128xf32, #tpu.memory_space<hbm>> -> memref<320x128xf32, #tpu.memory_space<hbm>>
      tpu.wait_dma2 semaphore(%run_scoped3A : memref<!tpu.dma_semaphore, #tpu.memory_space<semaphore_mem>>) src(%arg25 : memref<320x128xf32, #tpu.memory_space<vmem>>) dst(%dma_wait3A_31 : memref<320x128xf32, #tpu.memory_space<hbm>>)
      tpu.yield
    }) : () -> ()
    return
  }
}

#map = affine_map<(d0, d1) -> (0)>
#map1 = affine_map<(d0, d1) -> (0, 0)>
module attributes {stable_mosaic.version = 14 : i64} {
  func.func @_sc_edge_body(%arg0: i32, %arg1: i32, %arg2: memref<320000xi32, #tpu.memory_space<hbm>>, %arg3: memref<320000xi32, #tpu.memory_space<hbm>>, %arg4: memref<320000xf32, #tpu.memory_space<hbm>>, %arg5: memref<320000xf32, #tpu.memory_space<hbm>>, %arg6: memref<320000xf32, #tpu.memory_space<hbm>>, %arg7: memref<320000xf32, #tpu.memory_space<hbm>>, %arg8: memref<10000x512xf32, #tpu.memory_space<hbm>>, %arg9: memref<10240x128xf32, #tpu.memory_space<hbm>>, %arg10: memref<2000xi32, #tpu.memory_space<vmem>>, %arg11: memref<2000xi32, #tpu.memory_space<vmem>>, %arg12: memref<2000xf32, #tpu.memory_space<vmem>>, %arg13: memref<2000xf32, #tpu.memory_space<vmem>>, %arg14: memref<2000xf32, #tpu.memory_space<vmem>>, %arg15: memref<2000xf32, #tpu.memory_space<vmem>>, %arg16: memref<2048xi32, #tpu.memory_space<vmem>>, %arg17: memref<64xi32, #tpu.memory_space<vmem>>, %arg18: memref<2048xi32, #tpu.memory_space<vmem>>, %arg19: memref<2048xf32, #tpu.memory_space<vmem>>, %arg20: memref<2048xf32, #tpu.memory_space<vmem>>, %arg21: memref<2048xf32, #tpu.memory_space<vmem>>, %arg22: memref<2048xf32, #tpu.memory_space<vmem>>, %arg23: memref<64x512xf32, #tpu.memory_space<vmem>>, %arg24: memref<1x128xf32, #tpu.memory_space<vmem>>, %arg25: memref<320x128xf32, #tpu.memory_space<vmem>>, %arg26: memref<!tpu.dma_semaphore, #tpu.memory_space<semaphore_mem>>) attributes {dimension_semantics = [#tpu.dimension_semantics<core_parallel>, #tpu.dimension_semantics<subcore_parallel>], iteration_bounds = array<i64: 2, 16>, scalar_prefetch = 0 : i64, scratch_operands = 17 : i64, tpu.core_type = #tpu.core_type<sc_vector_subcore>, window_params = [{transform_indices = #map}, {transform_indices = #map}, {transform_indices = #map}, {transform_indices = #map}, {transform_indices = #map}, {transform_indices = #map}, {transform_indices = #map1}, {transform_indices = #map1}]} {
    %mul3A = arith.constant 2 : i32
    %mul3A_0 = arith.muli %arg1, %mul3A : i32
    %add3A = arith.addi %mul3A_0, %arg0 : i32
    %mul3A_1 = arith.constant 320 : i32
    %mul3A_2 = arith.muli %add3A, %mul3A_1 : i32
    %broadcast_in_dim3A = arith.constant 0.000000e+00 : f32
    %broadcast_in_dim3A_3 = vector.broadcast %broadcast_in_dim3A : f32 to vector<16xf32>
    %broadcast_in_dim3A_4 = arith.constant 0 : i32
    %broadcast_in_dim3A_5 = vector.broadcast %broadcast_in_dim3A_4 : i32 to vector<16xi32>
    %scan3A = arith.constant 0 : i32
    %scan3A_6 = arith.constant 0 : i32
    %scan3A_7 = arith.constant 320 : i32
    %scan3A_8 = arith.addi %scan3A_6, %scan3A_7 : i32
    %scan3A_9 = arith.constant 1 : i32
    %scan3A_10 = scf.for %scan3A_26 = %scan3A_6 to %scan3A_8 step %scan3A_9 iter_args(%scan3A_27 = %scan3A) -> (i32)  : i32 {
      %swap3A = arith.index_cast %scan3A_26 : i32 to index
      %swap3A_28 = arith.constant 0 : index
      %swap3A_29 = tpu.vector_load %arg25[%swap3A, %swap3A_28] {strides = array<i32>} : memref<320x128xf32, #tpu.memory_space<vmem>>, vector<16xf32>,
      tpu.vector_store %arg25[%swap3A, %swap3A_28], %broadcast_in_dim3A_3 {strides = array<i32>} : memref<320x128xf32, #tpu.memory_space<vmem>>, vector<16xf32>,
      %swap3A_30 = arith.index_cast %scan3A_26 : i32 to index
      %swap3A_31 = arith.constant 16 : index
      %swap3A_32 = tpu.vector_load %arg25[%swap3A_30, %swap3A_31] {strides = array<i32>} : memref<320x128xf32, #tpu.memory_space<vmem>>, vector<16xf32>,
      tpu.vector_store %arg25[%swap3A_30, %swap3A_31], %broadcast_in_dim3A_3 {strides = array<i32>} : memref<320x128xf32, #tpu.memory_space<vmem>>, vector<16xf32>,
      %swap3A_33 = arith.index_cast %scan3A_26 : i32 to index
      %swap3A_34 = arith.constant 32 : index
      %swap3A_35 = tpu.vector_load %arg25[%swap3A_33, %swap3A_34] {strides = array<i32>} : memref<320x128xf32, #tpu.memory_space<vmem>>, vector<16xf32>,
      tpu.vector_store %arg25[%swap3A_33, %swap3A_34], %broadcast_in_dim3A_3 {strides = array<i32>} : memref<320x128xf32, #tpu.memory_space<vmem>>, vector<16xf32>,
      %swap3A_36 = arith.index_cast %scan3A_26 : i32 to index
      %swap3A_37 = arith.constant 48 : index
      %swap3A_38 = tpu.vector_load %arg25[%swap3A_36, %swap3A_37] {strides = array<i32>} : memref<320x128xf32, #tpu.memory_space<vmem>>, vector<16xf32>,
      tpu.vector_store %arg25[%swap3A_36, %swap3A_37], %broadcast_in_dim3A_3 {strides = array<i32>} : memref<320x128xf32, #tpu.memory_space<vmem>>, vector<16xf32>,
      %swap3A_39 = arith.index_cast %scan3A_26 : i32 to index
      %swap3A_40 = arith.constant 64 : index
      %swap3A_41 = tpu.vector_load %arg25[%swap3A_39, %swap3A_40] {strides = array<i32>} : memref<320x128xf32, #tpu.memory_space<vmem>>, vector<16xf32>,
      tpu.vector_store %arg25[%swap3A_39, %swap3A_40], %broadcast_in_dim3A_3 {strides = array<i32>} : memref<320x128xf32, #tpu.memory_space<vmem>>, vector<16xf32>,
      %swap3A_42 = arith.index_cast %scan3A_26 : i32 to index
      %swap3A_43 = arith.constant 80 : index
      %swap3A_44 = tpu.vector_load %arg25[%swap3A_42, %swap3A_43] {strides = array<i32>} : memref<320x128xf32, #tpu.memory_space<vmem>>, vector<16xf32>,
      tpu.vector_store %arg25[%swap3A_42, %swap3A_43], %broadcast_in_dim3A_3 {strides = array<i32>} : memref<320x128xf32, #tpu.memory_space<vmem>>, vector<16xf32>,
      %swap3A_45 = arith.index_cast %scan3A_26 : i32 to index
      %swap3A_46 = arith.constant 96 : index
      %swap3A_47 = tpu.vector_load %arg25[%swap3A_45, %swap3A_46] {strides = array<i32>} : memref<320x128xf32, #tpu.memory_space<vmem>>, vector<16xf32>,
      tpu.vector_store %arg25[%swap3A_45, %swap3A_46], %broadcast_in_dim3A_3 {strides = array<i32>} : memref<320x128xf32, #tpu.memory_space<vmem>>, vector<16xf32>,
      %swap3A_48 = arith.index_cast %scan3A_26 : i32 to index
      %swap3A_49 = arith.constant 112 : index
      %swap3A_50 = tpu.vector_load %arg25[%swap3A_48, %swap3A_49] {strides = array<i32>} : memref<320x128xf32, #tpu.memory_space<vmem>>, vector<16xf32>,
      tpu.vector_store %arg25[%swap3A_48, %swap3A_49], %broadcast_in_dim3A_3 {strides = array<i32>} : memref<320x128xf32, #tpu.memory_space<vmem>>, vector<16xf32>,
      %scan3A_51 = arith.constant 0 : i32
      scf.yield %scan3A_51 : i32
    }
    %scan3A_11 = arith.constant 320 : i32
    %scan3A_12 = arith.constant 0 : i32
    %scan3A_13 = arith.constant 0 : i32
    %scan3A_14 = arith.constant 128 : i32
    %scan3A_15 = arith.addi %scan3A_13, %scan3A_14 : i32
    %scan3A_16 = arith.constant 1 : i32
    %scan3A_17 = scf.for %scan3A_26 = %scan3A_13 to %scan3A_15 step %scan3A_16 iter_args(%scan3A_27 = %scan3A_12) -> (i32)  : i32 {
      %mul3A_28 = arith.constant 16 : i32
      %mul3A_29 = arith.muli %scan3A_26, %mul3A_28 : i32
      %swap3A = arith.index_cast %mul3A_29 : i32 to index
      %swap3A_30 = tpu.vector_load %arg16[%swap3A] {strides = array<i32>} : memref<2048xi32, #tpu.memory_space<vmem>>, vector<16xi32>,
      tpu.vector_store %arg16[%swap3A], %broadcast_in_dim3A_5 {strides = array<i32>} : memref<2048xi32, #tpu.memory_space<vmem>>, vector<16xi32>,
      %mul3A_31 = arith.constant 16 : i32
      %mul3A_32 = arith.muli %scan3A_26, %mul3A_31 : i32
      %swap3A_33 = arith.index_cast %mul3A_32 : i32 to index
      %swap3A_34 = tpu.vector_load %arg18[%swap3A_33] {strides = array<i32>} : memref<2048xi32, #tpu.memory_space<vmem>>, vector<16xi32>,
      tpu.vector_store %arg18[%swap3A_33], %broadcast_in_dim3A_5 {strides = array<i32>} : memref<2048xi32, #tpu.memory_space<vmem>>, vector<16xi32>,
      %scan3A_35 = arith.constant 0 : i32
      scf.yield %scan3A_35 : i32
    }
    %scan3A_18 = arith.constant 128 : i32
    %scan3A_19 = arith.constant 0 : i32
    %scan3A_20 = arith.constant 0 : i32
    %scan3A_21 = arith.constant 160 : i32
    %scan3A_22 = arith.addi %scan3A_20, %scan3A_21 : i32
    %scan3A_23 = arith.constant 1 : i32
    %scan3A_24 = scf.for %scan3A_26 = %scan3A_20 to %scan3A_22 step %scan3A_23 iter_args(%scan3A_27 = %scan3A_19) -> (i32)  : i32 {
      %mul3A_28 = arith.constant 2000 : i32
      %mul3A_29 = arith.muli %scan3A_26, %mul3A_28 : i32
      %dma_start3A = tpu.memref_slice %arg2[%mul3A_29] : memref<320000xi32, #tpu.memory_space<hbm>> -> memref<2000xi32, #tpu.memory_space<hbm>>
      %dma_start3A_30 = tpu.memref_slice %arg2[%mul3A_29] : memref<320000xi32, #tpu.memory_space<hbm>> -> memref<2000xi32, #tpu.memory_space<hbm>>
      tpu.enqueue_dma source(%dma_start3A_30 : memref<2000xi32, #tpu.memory_space<hbm>>) target(%arg10 : memref<2000xi32, #tpu.memory_space<vmem>>) target_semaphore(%arg26 : memref<!tpu.dma_semaphore, #tpu.memory_space<semaphore_mem>>)
      %dma_start3A_31 = tpu.memref_slice %arg3[%mul3A_29] : memref<320000xi32, #tpu.memory_space<hbm>> -> memref<2000xi32, #tpu.memory_space<hbm>>
      %dma_start3A_32 = tpu.memref_slice %arg3[%mul3A_29] : memref<320000xi32, #tpu.memory_space<hbm>> -> memref<2000xi32, #tpu.memory_space<hbm>>
      tpu.enqueue_dma source(%dma_start3A_32 : memref<2000xi32, #tpu.memory_space<hbm>>) target(%arg11 : memref<2000xi32, #tpu.memory_space<vmem>>) target_semaphore(%arg26 : memref<!tpu.dma_semaphore, #tpu.memory_space<semaphore_mem>>)
      %dma_start3A_33 = tpu.memref_slice %arg4[%mul3A_29] : memref<320000xf32, #tpu.memory_space<hbm>> -> memref<2000xf32, #tpu.memory_space<hbm>>
      %dma_start3A_34 = tpu.memref_slice %arg4[%mul3A_29] : memref<320000xf32, #tpu.memory_space<hbm>> -> memref<2000xf32, #tpu.memory_space<hbm>>
      tpu.enqueue_dma source(%dma_start3A_34 : memref<2000xf32, #tpu.memory_space<hbm>>) target(%arg12 : memref<2000xf32, #tpu.memory_space<vmem>>) target_semaphore(%arg26 : memref<!tpu.dma_semaphore, #tpu.memory_space<semaphore_mem>>)
      %dma_start3A_35 = tpu.memref_slice %arg5[%mul3A_29] : memref<320000xf32, #tpu.memory_space<hbm>> -> memref<2000xf32, #tpu.memory_space<hbm>>
      %dma_start3A_36 = tpu.memref_slice %arg5[%mul3A_29] : memref<320000xf32, #tpu.memory_space<hbm>> -> memref<2000xf32, #tpu.memory_space<hbm>>
      tpu.enqueue_dma source(%dma_start3A_36 : memref<2000xf32, #tpu.memory_space<hbm>>) target(%arg13 : memref<2000xf32, #tpu.memory_space<vmem>>) target_semaphore(%arg26 : memref<!tpu.dma_semaphore, #tpu.memory_space<semaphore_mem>>)
      %dma_start3A_37 = tpu.memref_slice %arg6[%mul3A_29] : memref<320000xf32, #tpu.memory_space<hbm>> -> memref<2000xf32, #tpu.memory_space<hbm>>
      %dma_start3A_38 = tpu.memref_slice %arg6[%mul3A_29] : memref<320000xf32, #tpu.memory_space<hbm>> -> memref<2000xf32, #tpu.memory_space<hbm>>
      tpu.enqueue_dma source(%dma_start3A_38 : memref<2000xf32, #tpu.memory_space<hbm>>) target(%arg14 : memref<2000xf32, #tpu.memory_space<vmem>>) target_semaphore(%arg26 : memref<!tpu.dma_semaphore, #tpu.memory_space<semaphore_mem>>)
      %dma_start3A_39 = tpu.memref_slice %arg7[%mul3A_29] : memref<320000xf32, #tpu.memory_space<hbm>> -> memref<2000xf32, #tpu.memory_space<hbm>>
      %dma_start3A_40 = tpu.memref_slice %arg7[%mul3A_29] : memref<320000xf32, #tpu.memory_space<hbm>> -> memref<2000xf32, #tpu.memory_space<hbm>>
      tpu.enqueue_dma source(%dma_start3A_40 : memref<2000xf32, #tpu.memory_space<hbm>>) target(%arg15 : memref<2000xf32, #tpu.memory_space<vmem>>) target_semaphore(%arg26 : memref<!tpu.dma_semaphore, #tpu.memory_space<semaphore_mem>>)
      %dma_wait3A = tpu.memref_slice %arg2[%mul3A_29] : memref<320000xi32, #tpu.memory_space<hbm>> -> memref<2000xi32, #tpu.memory_space<hbm>>
      %dma_wait3A_41 = tpu.memref_slice %arg2[%mul3A_29] : memref<320000xi32, #tpu.memory_space<hbm>> -> memref<2000xi32, #tpu.memory_space<hbm>>
      tpu.wait_dma2 semaphore(%arg26 : memref<!tpu.dma_semaphore, #tpu.memory_space<semaphore_mem>>) src(%dma_wait3A_41 : memref<2000xi32, #tpu.memory_space<hbm>>) dst(%arg10 : memref<2000xi32, #tpu.memory_space<vmem>>)
      %dma_wait3A_42 = tpu.memref_slice %arg3[%mul3A_29] : memref<320000xi32, #tpu.memory_space<hbm>> -> memref<2000xi32, #tpu.memory_space<hbm>>
      %dma_wait3A_43 = tpu.memref_slice %arg3[%mul3A_29] : memref<320000xi32, #tpu.memory_space<hbm>> -> memref<2000xi32, #tpu.memory_space<hbm>>
      tpu.wait_dma2 semaphore(%arg26 : memref<!tpu.dma_semaphore, #tpu.memory_space<semaphore_mem>>) src(%dma_wait3A_43 : memref<2000xi32, #tpu.memory_space<hbm>>) dst(%arg11 : memref<2000xi32, #tpu.memory_space<vmem>>)
      %dma_wait3A_44 = tpu.memref_slice %arg4[%mul3A_29] : memref<320000xf32, #tpu.memory_space<hbm>> -> memref<2000xf32, #tpu.memory_space<hbm>>
      %dma_wait3A_45 = tpu.memref_slice %arg4[%mul3A_29] : memref<320000xf32, #tpu.memory_space<hbm>> -> memref<2000xf32, #tpu.memory_space<hbm>>
      tpu.wait_dma2 semaphore(%arg26 : memref<!tpu.dma_semaphore, #tpu.memory_space<semaphore_mem>>) src(%dma_wait3A_45 : memref<2000xf32, #tpu.memory_space<hbm>>) dst(%arg12 : memref<2000xf32, #tpu.memory_space<vmem>>)
      %dma_wait3A_46 = tpu.memref_slice %arg5[%mul3A_29] : memref<320000xf32, #tpu.memory_space<hbm>> -> memref<2000xf32, #tpu.memory_space<hbm>>
      %dma_wait3A_47 = tpu.memref_slice %arg5[%mul3A_29] : memref<320000xf32, #tpu.memory_space<hbm>> -> memref<2000xf32, #tpu.memory_space<hbm>>
      tpu.wait_dma2 semaphore(%arg26 : memref<!tpu.dma_semaphore, #tpu.memory_space<semaphore_mem>>) src(%dma_wait3A_47 : memref<2000xf32, #tpu.memory_space<hbm>>) dst(%arg13 : memref<2000xf32, #tpu.memory_space<vmem>>)
      %dma_wait3A_48 = tpu.memref_slice %arg6[%mul3A_29] : memref<320000xf32, #tpu.memory_space<hbm>> -> memref<2000xf32, #tpu.memory_space<hbm>>
      %dma_wait3A_49 = tpu.memref_slice %arg6[%mul3A_29] : memref<320000xf32, #tpu.memory_space<hbm>> -> memref<2000xf32, #tpu.memory_space<hbm>>
      tpu.wait_dma2 semaphore(%arg26 : memref<!tpu.dma_semaphore, #tpu.memory_space<semaphore_mem>>) src(%dma_wait3A_49 : memref<2000xf32, #tpu.memory_space<hbm>>) dst(%arg14 : memref<2000xf32, #tpu.memory_space<vmem>>)
      %dma_wait3A_50 = tpu.memref_slice %arg7[%mul3A_29] : memref<320000xf32, #tpu.memory_space<hbm>> -> memref<2000xf32, #tpu.memory_space<hbm>>
      %dma_wait3A_51 = tpu.memref_slice %arg7[%mul3A_29] : memref<320000xf32, #tpu.memory_space<hbm>> -> memref<2000xf32, #tpu.memory_space<hbm>>
      tpu.wait_dma2 semaphore(%arg26 : memref<!tpu.dma_semaphore, #tpu.memory_space<semaphore_mem>>) src(%dma_wait3A_51 : memref<2000xf32, #tpu.memory_space<hbm>>) dst(%arg15 : memref<2000xf32, #tpu.memory_space<vmem>>)
      %scan3A_52 = arith.constant 0 : i32
      %scan3A_53 = arith.constant 0 : i32
      %scan3A_54 = arith.constant 125 : i32
      %scan3A_55 = arith.addi %scan3A_53, %scan3A_54 : i32
      %scan3A_56 = arith.constant 1 : i32
      %scan3A_57 = scf.for %scan3A_91 = %scan3A_53 to %scan3A_55 step %scan3A_56 iter_args(%scan3A_92 = %scan3A_52) -> (i32)  : i32 {
        %mul3A_93 = arith.constant 16 : i32
        %mul3A_94 = arith.muli %scan3A_91, %mul3A_93 : i32
        %get3A = arith.index_cast %mul3A_94 : i32 to index
        %get3A_95 = tpu.vector_load %arg11[%get3A] {strides = array<i32>} : memref<2000xi32, #tpu.memory_space<vmem>>, vector<16xi32>,
        %ge3A = vector.broadcast %mul3A_2 : i32 to vector<16xi32>
        %ge3A_96 = arith.cmpi sge, %get3A_95, %ge3A : vector<16xi32>
        %add3A_97 = arith.constant 320 : i32
        %add3A_98 = arith.addi %mul3A_2, %add3A_97 : i32
        %lt3A = vector.broadcast %add3A_98 : i32 to vector<16xi32>
        %lt3A_99 = arith.cmpi slt, %get3A_95, %lt3A : vector<16xi32>
        %and3A_100 = arith.andi %ge3A_96, %lt3A_99 : vector<16xi1>
        %all_reduce_population_count3A = tpu.all_reduce %and3A_100 {dim = 0 : i64, kind = #tpu.reduction_kind<sum>} : vector<16xi1> -> vector<16xi32>
        %slice3A = vector.extract_strided_slice %all_reduce_population_count3A {offsets = [0], sizes = [1], strides = [1]} : vector<16xi32> to vector<1xi32>
        %squeeze3A = vector.extract %slice3A[0] : i32 from vector<1xi32>
        %gt3A = arith.constant 0 : i32
        %gt3A_101 = arith.cmpi sgt, %squeeze3A, %gt3A : i32
        %convert_element_type3A = arith.extui %gt3A_101 : i1 to i32
        %cond3A = arith.constant 0 : i32
        %cond3A_102 = arith.cmpi ne, %convert_element_type3A, %cond3A : i32
        scf.if %cond3A_102 {
          %mul3A_104 = arith.constant 16 : i32
          %mul3A_105 = arith.muli %scan3A_91, %mul3A_104 : i32
          %get3A_106 = arith.index_cast %mul3A_105 : i32 to index
          %get3A_107 = tpu.vector_load %arg10[%get3A_106] {strides = array<i32>} : memref<2000xi32, #tpu.memory_space<vmem>>, vector<16xi32>,
          %swap3A = arith.index_cast %scan3A_92 : i32 to index
          %swap3A_108 = tpu.vector_load %arg16[%swap3A] masked %and3A_100 {strides = array<i32>} : memref<2048xi32, #tpu.memory_space<vmem>>, vector<16xi32>, vector<16xi1>
          tpu.vector_store %arg16[%swap3A], %get3A_107 masked %and3A_100 {strides = array<i32>} : memref<2048xi32, #tpu.memory_space<vmem>>, vector<16xi32>, vector<16xi1>
          %sub3A_109 = vector.broadcast %mul3A_2 : i32 to vector<16xi32>
          %sub3A_110 = arith.subi %get3A_95, %sub3A_109 : vector<16xi32>
          %swap3A_111 = arith.index_cast %scan3A_92 : i32 to index
          %swap3A_112 = tpu.vector_load %arg18[%swap3A_111] masked %and3A_100 {strides = array<i32>} : memref<2048xi32, #tpu.memory_space<vmem>>, vector<16xi32>, vector<16xi1>
          tpu.vector_store %arg18[%swap3A_111], %sub3A_110 masked %and3A_100 {strides = array<i32>} : memref<2048xi32, #tpu.memory_space<vmem>>, vector<16xi32>, vector<16xi1>
          %mul3A_113 = arith.constant 16 : i32
          %mul3A_114 = arith.muli %scan3A_91, %mul3A_113 : i32
          %get3A_115 = arith.index_cast %mul3A_114 : i32 to index
          %get3A_116 = tpu.vector_load %arg12[%get3A_115] {strides = array<i32>} : memref<2000xf32, #tpu.memory_space<vmem>>, vector<16xf32>,
          %swap3A_117 = arith.index_cast %scan3A_92 : i32 to index
          %swap3A_118 = tpu.vector_load %arg19[%swap3A_117] masked %and3A_100 {strides = array<i32>} : memref<2048xf32, #tpu.memory_space<vmem>>, vector<16xf32>, vector<16xi1>
          tpu.vector_store %arg19[%swap3A_117], %get3A_116 masked %and3A_100 {strides = array<i32>} : memref<2048xf32, #tpu.memory_space<vmem>>, vector<16xf32>, vector<16xi1>
          %mul3A_119 = arith.constant 16 : i32
          %mul3A_120 = arith.muli %scan3A_91, %mul3A_119 : i32
          %get3A_121 = arith.index_cast %mul3A_120 : i32 to index
          %get3A_122 = tpu.vector_load %arg13[%get3A_121] {strides = array<i32>} : memref<2000xf32, #tpu.memory_space<vmem>>, vector<16xf32>,
          %swap3A_123 = arith.index_cast %scan3A_92 : i32 to index
          %swap3A_124 = tpu.vector_load %arg20[%swap3A_123] masked %and3A_100 {strides = array<i32>} : memref<2048xf32, #tpu.memory_space<vmem>>, vector<16xf32>, vector<16xi1>
          tpu.vector_store %arg20[%swap3A_123], %get3A_122 masked %and3A_100 {strides = array<i32>} : memref<2048xf32, #tpu.memory_space<vmem>>, vector<16xf32>, vector<16xi1>
          %mul3A_125 = arith.constant 16 : i32
          %mul3A_126 = arith.muli %scan3A_91, %mul3A_125 : i32
          %get3A_127 = arith.index_cast %mul3A_126 : i32 to index
          %get3A_128 = tpu.vector_load %arg14[%get3A_127] {strides = array<i32>} : memref<2000xf32, #tpu.memory_space<vmem>>, vector<16xf32>,
          %swap3A_129 = arith.index_cast %scan3A_92 : i32 to index
          %swap3A_130 = tpu.vector_load %arg21[%swap3A_129] masked %and3A_100 {strides = array<i32>} : memref<2048xf32, #tpu.memory_space<vmem>>, vector<16xf32>, vector<16xi1>
          tpu.vector_store %arg21[%swap3A_129], %get3A_128 masked %and3A_100 {strides = array<i32>} : memref<2048xf32, #tpu.memory_space<vmem>>, vector<16xf32>, vector<16xi1>
          %mul3A_131 = arith.constant 16 : i32
          %mul3A_132 = arith.muli %scan3A_91, %mul3A_131 : i32
          %get3A_133 = arith.index_cast %mul3A_132 : i32 to index
          %get3A_134 = tpu.vector_load %arg15[%get3A_133] {strides = array<i32>} : memref<2000xf32, #tpu.memory_space<vmem>>, vector<16xf32>,
          %swap3A_135 = arith.index_cast %scan3A_92 : i32 to index
          %swap3A_136 = tpu.vector_load %arg22[%swap3A_135] masked %and3A_100 {strides = array<i32>} : memref<2048xf32, #tpu.memory_space<vmem>>, vector<16xf32>, vector<16xi1>
          tpu.vector_store %arg22[%swap3A_135], %get3A_134 masked %and3A_100 {strides = array<i32>} : memref<2048xf32, #tpu.memory_space<vmem>>, vector<16xf32>, vector<16xi1>
        } else {
        }
        %add3A_103 = arith.addi %scan3A_92, %squeeze3A : i32
        scf.yield %add3A_103 : i32
      }
      %scan3A_58 = arith.constant 125 : i32
      %iota3A = tpu.iota {dimensions = array<i32: 0>} : vector<16xi32>
      %broadcast_in_dim3A_59 = arith.constant 0.000000e+00 : f32
      %broadcast_in_dim3A_60 = vector.broadcast %broadcast_in_dim3A_59 : f32 to vector<16xf32>
      %add3A_61 = arith.constant 63 : i32
      %add3A_62 = arith.addi %scan3A_57, %add3A_61 : i32
      %jit3A = arith.constant 64 : i32
      %div3A = arith.divsi %add3A_62, %jit3A : i32
      %sign3A = arith.constant 0 : i32
      %sign3A_63 = arith.cmpi sgt, %add3A_62, %sign3A : i32
      %sign3A_64 = arith.extui %sign3A_63 : i1 to i32
      %sign3A_65 = arith.constant 0 : i32
      %sign3A_66 = arith.cmpi slt, %add3A_62, %sign3A_65 : i32
      %sign3A_67 = arith.extui %sign3A_66 : i1 to i32
      %sign3A_68 = arith.subi %sign3A_64, %sign3A_67 : i32
      %sign3A_69 = arith.constant 0 : i32
      %sign3A_70 = arith.cmpi sgt, %jit3A, %sign3A_69 : i32
      %sign3A_71 = arith.extui %sign3A_70 : i1 to i32
      %sign3A_72 = arith.constant 0 : i32
      %sign3A_73 = arith.cmpi slt, %jit3A, %sign3A_72 : i32
      %sign3A_74 = arith.extui %sign3A_73 : i1 to i32
      %sign3A_75 = arith.subi %sign3A_71, %sign3A_74 : i32
      %ne3A = arith.cmpi ne, %sign3A_68, %sign3A_75 : i32
      %rem3A = arith.remsi %add3A_62, %jit3A : i32
      %ne3A_76 = arith.constant 0 : i32
      %ne3A_77 = arith.cmpi ne, %rem3A, %ne3A_76 : i32
      %and3A = arith.andi %ne3A, %ne3A_77 : i1
      %sub3A = arith.constant 1 : i32
      %sub3A_78 = arith.subi %div3A, %sub3A : i32
      %select_n3A = arith.select %and3A, %sub3A_78, %div3A : i32
      %while3A = arith.constant 0 : i32
      %while3A_79 = arith.constant 0 : i32
      %while3A_80 = arith.subi %select_n3A, %while3A : i32
      %while3A_81 = arith.addi %while3A, %while3A_80 : i32
      %while3A_82 = arith.constant 1 : i32
      %while3A_83 = arith.divsi %while3A_80, %while3A_82 : i32
      %while3A_84 = arith.muli %while3A_83, %while3A_82 : i32
      %while3A_85 = arith.addi %while3A, %while3A_84 : i32
      %while3A_86 = arith.constant 1 : i32
      %while3A_87 = scf.for %while3A_91 = %while3A to %while3A_85 step %while3A_86 iter_args(%while3A_92 = %while3A_79) -> (i32)  : i32 {
        %mul3A_93 = arith.constant 64 : i32
        %mul3A_94 = arith.muli %while3A_91, %mul3A_93 : i32
        %add3A_95 = arith.constant 0 : i32
        %add3A_96 = arith.addi %mul3A_94, %add3A_95 : i32
        %get3A = arith.index_cast %add3A_96 : i32 to index
        %get3A_97 = tpu.vector_load %arg16[%get3A] {strides = array<i32>} : memref<2048xi32, #tpu.memory_space<vmem>>, vector<16xi32>,
        %swap3A = arith.constant 0 : index
        %swap3A_98 = tpu.vector_load %arg17[%swap3A] {strides = array<i32>} : memref<64xi32, #tpu.memory_space<vmem>>, vector<16xi32>,
        tpu.vector_store %arg17[%swap3A], %get3A_97 {strides = array<i32>} : memref<64xi32, #tpu.memory_space<vmem>>, vector<16xi32>,
        %mul3A_99 = arith.constant 64 : i32
        %mul3A_100 = arith.muli %while3A_91, %mul3A_99 : i32
        %add3A_101 = arith.constant 16 : i32
        %add3A_102 = arith.addi %mul3A_100, %add3A_101 : i32
        %get3A_103 = arith.index_cast %add3A_102 : i32 to index
        %get3A_104 = tpu.vector_load %arg16[%get3A_103] {strides = array<i32>} : memref<2048xi32, #tpu.memory_space<vmem>>, vector<16xi32>,
        %swap3A_105 = arith.constant 16 : index
        %swap3A_106 = tpu.vector_load %arg17[%swap3A_105] {strides = array<i32>} : memref<64xi32, #tpu.memory_space<vmem>>, vector<16xi32>,
        tpu.vector_store %arg17[%swap3A_105], %get3A_104 {strides = array<i32>} : memref<64xi32, #tpu.memory_space<vmem>>, vector<16xi32>,
        %mul3A_107 = arith.constant 64 : i32
        %mul3A_108 = arith.muli %while3A_91, %mul3A_107 : i32
        %add3A_109 = arith.constant 32 : i32
        %add3A_110 = arith.addi %mul3A_108, %add3A_109 : i32
        %get3A_111 = arith.index_cast %add3A_110 : i32 to index
        %get3A_112 = tpu.vector_load %arg16[%get3A_111] {strides = array<i32>} : memref<2048xi32, #tpu.memory_space<vmem>>, vector<16xi32>,
        %swap3A_113 = arith.constant 32 : index
        %swap3A_114 = tpu.vector_load %arg17[%swap3A_113] {strides = array<i32>} : memref<64xi32, #tpu.memory_space<vmem>>, vector<16xi32>,
        tpu.vector_store %arg17[%swap3A_113], %get3A_112 {strides = array<i32>} : memref<64xi32, #tpu.memory_space<vmem>>, vector<16xi32>,
        %mul3A_115 = arith.constant 64 : i32
        %mul3A_116 = arith.muli %while3A_91, %mul3A_115 : i32
        %add3A_117 = arith.constant 48 : i32
        %add3A_118 = arith.addi %mul3A_116, %add3A_117 : i32
        %get3A_119 = arith.index_cast %add3A_118 : i32 to index
        %get3A_120 = tpu.vector_load %arg16[%get3A_119] {strides = array<i32>} : memref<2048xi32, #tpu.memory_space<vmem>>, vector<16xi32>,
        %swap3A_121 = arith.constant 48 : index
        %swap3A_122 = tpu.vector_load %arg17[%swap3A_121] {strides = array<i32>} : memref<64xi32, #tpu.memory_space<vmem>>, vector<16xi32>,
        tpu.vector_store %arg17[%swap3A_121], %get3A_120 {strides = array<i32>} : memref<64xi32, #tpu.memory_space<vmem>>, vector<16xi32>,
        %dma_start3A_123 = arith.constant 0 : i32
        %dma_start3A_124 = arith.constant 0 : i32
        %dma_start3A_125 = tpu.memref_slice %arg8[%dma_start3A_123, %dma_start3A_124] : memref<10000x512xf32, #tpu.memory_space<hbm>> -> memref<10000x512xf32, #tpu.memory_space<hbm>>
        tpu.enqueue_indirect_dma source(%dma_start3A_125 : memref<10000x512xf32, #tpu.memory_space<hbm>>) target(%arg23 : memref<64x512xf32, #tpu.memory_space<vmem>>) offsets(%arg17 : memref<64xi32, #tpu.memory_space<vmem>>) semaphore(%arg26 : memref<!tpu.dma_semaphore, #tpu.memory_space<semaphore_mem>>)
        %dma_wait3A_126 = arith.constant 0 : i32
        %dma_wait3A_127 = arith.constant 0 : i32
        %dma_wait3A_128 = tpu.memref_slice %arg8[%dma_wait3A_126, %dma_wait3A_127] : memref<10000x512xf32, #tpu.memory_space<hbm>> -> memref<10000x512xf32, #tpu.memory_space<hbm>>
        tpu.wait_indirect_dma semaphore(%arg26 : memref<!tpu.dma_semaphore, #tpu.memory_space<semaphore_mem>>) src(%dma_wait3A_128 : memref<10000x512xf32, #tpu.memory_space<hbm>>) dst(%arg23 : memref<64x512xf32, #tpu.memory_space<vmem>>)
        %while3A_129 = arith.constant 0 : i32
        scf.yield %while3A_129 : i32
      }
      %while3A_88 = arith.constant 1 : i32
      %while3A_89 = scf.for %while3A_91 = %while3A_85 to %while3A_81 step %while3A_88 iter_args(%while3A_92 = %while3A_87) -> (i32)  : i32 {
        %mul3A_93 = arith.constant 64 : i32
        %mul3A_94 = arith.muli %while3A_91, %mul3A_93 : i32
        %add3A_95 = arith.constant 0 : i32
        %add3A_96 = arith.addi %mul3A_94, %add3A_95 : i32
        %get3A = arith.index_cast %add3A_96 : i32 to index
        %get3A_97 = tpu.vector_load %arg16[%get3A] {strides = array<i32>} : memref<2048xi32, #tpu.memory_space<vmem>>, vector<16xi32>,
        %swap3A = arith.constant 0 : index
        %swap3A_98 = tpu.vector_load %arg17[%swap3A] {strides = array<i32>} : memref<64xi32, #tpu.memory_space<vmem>>, vector<16xi32>,
        tpu.vector_store %arg17[%swap3A], %get3A_97 {strides = array<i32>} : memref<64xi32, #tpu.memory_space<vmem>>, vector<16xi32>,
        %mul3A_99 = arith.constant 64 : i32
        %mul3A_100 = arith.muli %while3A_91, %mul3A_99 : i32
        %add3A_101 = arith.constant 16 : i32
        %add3A_102 = arith.addi %mul3A_100, %add3A_101 : i32
        %get3A_103 = arith.index_cast %add3A_102 : i32 to index
        %get3A_104 = tpu.vector_load %arg16[%get3A_103] {strides = array<i32>} : memref<2048xi32, #tpu.memory_space<vmem>>, vector<16xi32>,
        %swap3A_105 = arith.constant 16 : index
        %swap3A_106 = tpu.vector_load %arg17[%swap3A_105] {strides = array<i32>} : memref<64xi32, #tpu.memory_space<vmem>>, vector<16xi32>,
        tpu.vector_store %arg17[%swap3A_105], %get3A_104 {strides = array<i32>} : memref<64xi32, #tpu.memory_space<vmem>>, vector<16xi32>,
        %mul3A_107 = arith.constant 64 : i32
        %mul3A_108 = arith.muli %while3A_91, %mul3A_107 : i32
        %add3A_109 = arith.constant 32 : i32
        %add3A_110 = arith.addi %mul3A_108, %add3A_109 : i32
        %get3A_111 = arith.index_cast %add3A_110 : i32 to index
        %get3A_112 = tpu.vector_load %arg16[%get3A_111] {strides = array<i32>} : memref<2048xi32, #tpu.memory_space<vmem>>, vector<16xi32>,
        %swap3A_113 = arith.constant 32 : index
        %swap3A_114 = tpu.vector_load %arg17[%swap3A_113] {strides = array<i32>} : memref<64xi32, #tpu.memory_space<vmem>>, vector<16xi32>,
        tpu.vector_store %arg17[%swap3A_113], %get3A_112 {strides = array<i32>} : memref<64xi32, #tpu.memory_space<vmem>>, vector<16xi32>,
        %mul3A_115 = arith.constant 64 : i32
        %mul3A_116 = arith.muli %while3A_91, %mul3A_115 : i32
        %add3A_117 = arith.constant 48 : i32
        %add3A_118 = arith.addi %mul3A_116, %add3A_117 : i32
        %get3A_119 = arith.index_cast %add3A_118 : i32 to index
        %get3A_120 = tpu.vector_load %arg16[%get3A_119] {strides = array<i32>} : memref<2048xi32, #tpu.memory_space<vmem>>, vector<16xi32>,
        %swap3A_121 = arith.constant 48 : index
        %swap3A_122 = tpu.vector_load %arg17[%swap3A_121] {strides = array<i32>} : memref<64xi32, #tpu.memory_space<vmem>>, vector<16xi32>,
        tpu.vector_store %arg17[%swap3A_121], %get3A_120 {strides = array<i32>} : memref<64xi32, #tpu.memory_space<vmem>>, vector<16xi32>,
        %dma_start3A_123 = arith.constant 0 : i32
        %dma_start3A_124 = arith.constant 0 : i32
        %dma_start3A_125 = tpu.memref_slice %arg8[%dma_start3A_123, %dma_start3A_124] : memref<10000x512xf32, #tpu.memory_space<hbm>> -> memref<10000x512xf32, #tpu.memory_space<hbm>>
        tpu.enqueue_indirect_dma source(%dma_start3A_125 : memref<10000x512xf32, #tpu.memory_space<hbm>>) target(%arg23 : memref<64x512xf32, #tpu.memory_space<vmem>>) offsets(%arg17 : memref<64xi32, #tpu.memory_space<vmem>>) semaphore(%arg26 : memref<!tpu.dma_semaphore, #tpu.memory_space<semaphore_mem>>)
        %dma_wait3A_126 = arith.constant 0 : i32
        %dma_wait3A_127 = arith.constant 0 : i32
        %dma_wait3A_128 = tpu.memref_slice %arg8[%dma_wait3A_126, %dma_wait3A_127] : memref<10000x512xf32, #tpu.memory_space<hbm>> -> memref<10000x512xf32, #tpu.memory_space<hbm>>
        tpu.wait_indirect_dma semaphore(%arg26 : memref<!tpu.dma_semaphore, #tpu.memory_space<semaphore_mem>>) src(%dma_wait3A_128 : memref<10000x512xf32, #tpu.memory_space<hbm>>) dst(%arg23 : memref<64x512xf32, #tpu.memory_space<vmem>>)
        %while3A_129 = arith.constant 0 : i32
        scf.yield %while3A_129 : i32
      }
      %scan3A_90 = arith.constant 0 : i32
      scf.yield %scan3A_90 : i32
    }
    %scan3A_25 = arith.constant 160 : i32
    "tpu.region"() ({
      %run_scoped3A = tpu.sem_alloc : memref<!tpu.dma_semaphore, #tpu.memory_space<semaphore_mem>>
      %dma_start3A = arith.constant 0 : i32
      %dma_start3A_26 = tpu.memref_slice %arg9[%mul3A_2, %dma_start3A] : memref<10240x128xf32, #tpu.memory_space<hbm>> -> memref<320x128xf32, #tpu.memory_space<hbm>>
      %dma_start3A_27 = arith.constant 0 : i32
      %dma_start3A_28 = tpu.memref_slice %arg9[%mul3A_2, %dma_start3A_27] : memref<10240x128xf32, #tpu.memory_space<hbm>> -> memref<320x128xf32, #tpu.memory_space<hbm>>
      tpu.enqueue_dma source(%arg25 : memref<320x128xf32, #tpu.memory_space<vmem>>) target(%dma_start3A_28 : memref<320x128xf32, #tpu.memory_space<hbm>>) target_semaphore(%run_scoped3A : memref<!tpu.dma_semaphore, #tpu.memory_space<semaphore_mem>>)
      %dma_wait3A = arith.constant 0 : i32
      %dma_wait3A_29 = tpu.memref_slice %arg9[%mul3A_2, %dma_wait3A] : memref<10240x128xf32, #tpu.memory_space<hbm>> -> memref<320x128xf32, #tpu.memory_space<hbm>>
      %dma_wait3A_30 = arith.constant 0 : i32
      %dma_wait3A_31 = tpu.memref_slice %arg9[%mul3A_2, %dma_wait3A_30] : memref<10240x128xf32, #tpu.memory_space<hbm>> -> memref<320x128xf32, #tpu.memory_space<hbm>>
      tpu.wait_dma2 semaphore(%run_scoped3A : memref<!tpu.dma_semaphore, #tpu.memory_space<semaphore_mem>>) src(%arg25 : memref<320x128xf32, #tpu.memory_space<vmem>>) dst(%dma_wait3A_31 : memref<320x128xf32, #tpu.memory_space<hbm>>)
      tpu.yield
    }) : () -> ()
    return
  }
}

module attributes {stable_mosaic.version = 14 : i64} {
  func.func @_dir_kernel(%arg0: i32, %arg1: memref<4x6400xf32, #tpu.memory_space<vmem>>, %arg2: memref<4x6400xf32, #tpu.memory_space<vmem>>, %arg3: memref<4x6400xf32, #tpu.memory_space<vmem>>) attributes {dimension_semantics = [#tpu.dimension_semantics<arbitrary>], iteration_bounds = array<i64: 50>, scalar_prefetch = 0 : i64, scratch_operands = 0 : i64, tpu.core_type = #tpu.core_type<tc>, window_params = [{transform_indices = @transform_0, window_bounds = array<i64: 4, 6400>}, {transform_indices = @transform_1, window_bounds = array<i64: 4, 6400>}, {transform_indices = @transform_2, window_bounds = array<i64: 4, 6400>}]} {
    %get3A = arith.constant 0 : index
    %get3A_0 = arith.constant 0 : index
    %get3A_1 = vector.load %arg1[%get3A, %get3A_0] : memref<4x6400xf32, #tpu.memory_space<vmem>>, vector<1x6400xf32>
    %get3A_2 = arith.constant 0 : index
    %get3A_3 = arith.constant 0 : index
    %get3A_4 = vector.load %arg2[%get3A_2, %get3A_3] : memref<4x6400xf32, #tpu.memory_space<vmem>>, vector<1x6400xf32>
    %sub3A = arith.subf %get3A_1, %get3A_4 : vector<1x6400xf32>
    %get3A_5 = arith.constant 1 : index
    %get3A_6 = arith.constant 0 : index
    %get3A_7 = vector.load %arg1[%get3A_5, %get3A_6] : memref<4x6400xf32, #tpu.memory_space<vmem>>, vector<1x6400xf32>
    %get3A_8 = arith.constant 1 : index
    %get3A_9 = arith.constant 0 : index
    %get3A_10 = vector.load %arg2[%get3A_8, %get3A_9] : memref<4x6400xf32, #tpu.memory_space<vmem>>, vector<1x6400xf32>
    %sub3A_11 = arith.subf %get3A_7, %get3A_10 : vector<1x6400xf32>
    %get3A_12 = arith.constant 2 : index
    %get3A_13 = arith.constant 0 : index
    %get3A_14 = vector.load %arg1[%get3A_12, %get3A_13] : memref<4x6400xf32, #tpu.memory_space<vmem>>, vector<1x6400xf32>
    %get3A_15 = arith.constant 2 : index
    %get3A_16 = arith.constant 0 : index
    %get3A_17 = vector.load %arg2[%get3A_15, %get3A_16] : memref<4x6400xf32, #tpu.memory_space<vmem>>, vector<1x6400xf32>
    %sub3A_18 = arith.subf %get3A_14, %get3A_17 : vector<1x6400xf32>
    %get3A_19 = arith.constant 3 : index
    %get3A_20 = arith.constant 0 : index
    %get3A_21 = vector.load %arg1[%get3A_19, %get3A_20] : memref<4x6400xf32, #tpu.memory_space<vmem>>, vector<1x6400xf32>
    %get3A_22 = arith.constant 3 : index
    %get3A_23 = arith.constant 0 : index
    %get3A_24 = vector.load %arg2[%get3A_22, %get3A_23] : memref<4x6400xf32, #tpu.memory_space<vmem>>, vector<1x6400xf32>
    %sub3A_25 = arith.subf %get3A_21, %get3A_24 : vector<1x6400xf32>
    %mul3A = arith.mulf %sub3A, %sub3A : vector<1x6400xf32>
    %mul3A_26 = arith.mulf %sub3A_11, %sub3A_11 : vector<1x6400xf32>
    %mul3A_27 = arith.mulf %sub3A_18, %sub3A_18 : vector<1x6400xf32>
    %mul3A_28 = arith.mulf %sub3A_25, %sub3A_25 : vector<1x6400xf32>
    %add3A = arith.addf %mul3A, %mul3A_27 : vector<1x6400xf32>
    %add3A_29 = arith.addf %mul3A_26, %mul3A_28 : vector<1x6400xf32>
    %add3A_30 = arith.addf %add3A, %add3A_29 : vector<1x6400xf32>
    %sqrt3A = math.sqrt %add3A_30 : vector<1x6400xf32>
    %max3A = arith.constant 9.99999996E-13 : f32
    %max3A_31 = vector.broadcast %max3A : f32 to vector<1x6400xf32>
    %max3A_32 = arith.maximumf %sqrt3A, %max3A_31 : vector<1x6400xf32>
    %div3A = arith.divf %sub3A, %max3A_32 : vector<1x6400xf32>
    %swap3A = arith.constant 0 : index
    %swap3A_33 = arith.constant 0 : index
    %swap3A_34 = vector.load %arg3[%swap3A, %swap3A_33] : memref<4x6400xf32, #tpu.memory_space<vmem>>, vector<1x6400xf32>
    tpu.vector_store %arg3[%swap3A, %swap3A_33], %div3A {strides = array<i32>} : memref<4x6400xf32, #tpu.memory_space<vmem>>, vector<1x6400xf32>,
    %div3A_35 = arith.divf %sub3A_11, %max3A_32 : vector<1x6400xf32>
    %swap3A_36 = arith.constant 1 : index
    %swap3A_37 = arith.constant 0 : index
    %swap3A_38 = vector.load %arg3[%swap3A_36, %swap3A_37] : memref<4x6400xf32, #tpu.memory_space<vmem>>, vector<1x6400xf32>
    tpu.vector_store %arg3[%swap3A_36, %swap3A_37], %div3A_35 {strides = array<i32>} : memref<4x6400xf32, #tpu.memory_space<vmem>>, vector<1x6400xf32>,
    %div3A_39 = arith.divf %sub3A_18, %max3A_32 : vector<1x6400xf32>
    %swap3A_40 = arith.constant 2 : index
    %swap3A_41 = arith.constant 0 : index
    %swap3A_42 = vector.load %arg3[%swap3A_40, %swap3A_41] : memref<4x6400xf32, #tpu.memory_space<vmem>>, vector<1x6400xf32>
    tpu.vector_store %arg3[%swap3A_40, %swap3A_41], %div3A_39 {strides = array<i32>} : memref<4x6400xf32, #tpu.memory_space<vmem>>, vector<1x6400xf32>,
    %div3A_43 = arith.divf %sub3A_25, %max3A_32 : vector<1x6400xf32>
    %swap3A_44 = arith.constant 3 : index
    %swap3A_45 = arith.constant 0 : index
    %swap3A_46 = vector.load %arg3[%swap3A_44, %swap3A_45] : memref<4x6400xf32, #tpu.memory_space<vmem>>, vector<1x6400xf32>
    tpu.vector_store %arg3[%swap3A_44, %swap3A_45], %div3A_43 {strides = array<i32>} : memref<4x6400xf32, #tpu.memory_space<vmem>>, vector<1x6400xf32>,
    return
  }
  func.func @transform_0(%arg0: i32) -> (i32, i32) {
    %c0_i32 = arith.constant 0 : i32
    %c0_i32_0 = arith.constant 0 : i32
    return %c0_i32, %arg0 : i32, i32
  }
  func.func @transform_1(%arg0: i32) -> (i32, i32) {
    %c0_i32 = arith.constant 0 : i32
    %c0_i32_0 = arith.constant 0 : i32
    return %c0_i32, %arg0 : i32, i32
  }
  func.func @transform_2(%arg0: i32) -> (i32, i32) {
    %c0_i32 = arith.constant 0 : i32
    %c0_i32_0 = arith.constant 0 : i32
    return %c0_i32, %arg0 : i32, i32
  }
}

module attributes {stable_mosaic.version = 14 : i64} {
  func.func @_matmul_kernel(%arg0: i32, %arg1: memref<1000x128xf32, #tpu.memory_space<vmem>>, %arg2: memref<128x512xf32, #tpu.memory_space<vmem>>, %arg3: memref<1000x512xf32, #tpu.memory_space<vmem>>) attributes {dimension_semantics = [#tpu.dimension_semantics<arbitrary>], iteration_bounds = array<i64: 10>, scalar_prefetch = 0 : i64, scratch_operands = 0 : i64, tpu.core_type = #tpu.core_type<tc>, window_params = [{transform_indices = @transform_0, window_bounds = array<i64: 1000, 128>}, {pipeline_mode = #tpu.pipeline_mode<synchronous>, transform_indices = @transform_1, window_bounds = array<i64: 128, 512>}, {transform_indices = @transform_2, window_bounds = array<i64: 1000, 512>}]} {
    %get3A = arith.constant 0 : index
    %get3A_0 = arith.constant 0 : index
    %get3A_1 = vector.load %arg1[%get3A, %get3A_0] : memref<1000x128xf32, #tpu.memory_space<vmem>>, vector<1000x128xf32>
    %get3A_2 = arith.constant 0 : index
    %get3A_3 = arith.constant 0 : index
    %get3A_4 = vector.load %arg2[%get3A_2, %get3A_3] : memref<128x512xf32, #tpu.memory_space<vmem>>, vector<128x512xf32>
    %dot_general3A = arith.constant dense<0.000000e+00> : vector<1000x512xf32>
    %dot_general3A_5 = tpu.matmul %get3A_1, %get3A_4, %dot_general3A {dimension_numbers = #tpu.dot_dimension_numbers<[1], [0], [0], [1], [0, 0, 1, 1], [], []>, transpose_lhs_hint = false} : vector<1000x128xf32>, vector<128x512xf32>, vector<1000x512xf32> -> vector<1000x512xf32>
    %swap3A = arith.constant 0 : index
    %swap3A_6 = arith.constant 0 : index
    %swap3A_7 = vector.load %arg3[%swap3A, %swap3A_6] : memref<1000x512xf32, #tpu.memory_space<vmem>>, vector<1000x512xf32>
    tpu.vector_store %arg3[%swap3A, %swap3A_6], %dot_general3A_5 {strides = array<i32>} : memref<1000x512xf32, #tpu.memory_space<vmem>>, vector<1000x512xf32>,
    return
  }
  func.func @transform_0(%arg0: i32) -> (i32, i32) {
    %c0_i32 = arith.constant 0 : i32
    %c0_i32_0 = arith.constant 0 : i32
    return %arg0, %c0_i32 : i32, i32
  }
  func.func @transform_1(%arg0: i32) -> (i32, i32) {
    %c0_i32 = arith.constant 0 : i32
    %c0_i32_0 = arith.constant 0 : i32
    %c0_i32_1 = arith.constant 0 : i32
    return %c0_i32, %c0_i32_0 : i32, i32
  }
  func.func @transform_2(%arg0: i32) -> (i32, i32) {
    %c0_i32 = arith.constant 0 : i32
    %c0_i32_0 = arith.constant 0 : i32
    return %arg0, %c0_i32 : i32, i32
  }
}

</mosaic_0001>

<sc_bundles>
// kernel: kernel.10.cloned.1.call-start
scs
__scs_entry_jumppad:
0x0: {  	(pc) =	sbr.rel $0x88, $3  }
0x1: {  	(tag) =	ssettag $0x0;
	lr =	simm.s32 $0x1  }
0x2: {  	[smem:$0x3F94] =	sst lr;
	_ =	strace $0xD0000000  }
0x3: {  	_ = 	snop  }
0x4: {  	_ = 	snop  }
0x5: {  	_ = 	snop  }
0x6: {  	_ = 	snop  }
0x7: {  	_ = 	snop  }
__scs_overlays_trampoline_lowered:
0x8: {  	[smem:$0x3FA3] =	sst s0  }
0x9: {  	[smem:$0x3FA4] =	sst s1  }
0xa: {  	[smem:$0x3FA5] =	sst s2  }
0xb: {  	[smem:$0x3FA6] =	sst s3  }
0xc: {  	[smem:$0x3FA7] =	sst s4  }
0xd: {  	[smem:$0x3FA8] =	sst s5  }
0xe: {  	[smem:$0x3FA9] =	sst s6  }
0xf: {  	[smem:$0x3FAA] =	sst s7  }
0x10: {  	[smem:$0x3FAB] =	sst s8  }
0x11: {  	[smem:$0x3FAC] =	sst s9;
	s0 =	simm.s32 @!p0 $0x0  }
0x12: {  	s1 =	sld [smem:$0x3F92];
	s0 =	simm.s32 @p0 $0x1  }
0x13: {  	[smem:$0x3FAD] =	sst s0;
	s0 =	simm.s32 @!p1 $0x0  }
0x14: {  	s2 =	sld [smem:$0x3F91];
	s0 =	simm.s32 @p1 $0x1  }
0x15: {  	[smem:$0x3FAE] =	sst s0;
	s0 =	simm.s32 @!p2 $0x0  }
0x16: {  	s3 =	sld [smem:$0x3FDB];
	s0 =	simm.s32 @p2 $0x1  }
0x17: {  	s4 =	simm.s32 $0x1BF5;
	[smem:$0x3FB0] =	sst s0  }
0x18: {  	s0 =	sld [smem:$0x3F93];
	_ =	swait.ge [sflag:s4], $0x0  }
0x19: {  	s7 =	sld [smem:$0x3F94]  }
0x1a: {  	s8 =	sadd.s32 $0xFFFFE003, lr  }
0x1b: {  	s9 =	sadd.s32 $0xFFFFFEF7, lr;
	s5 =	simm.s32 $0xFFFFFFFF;
	p2 =	slt.u32 s8, $0xFFFFF086  }
0x1c: {  	p1 =	slt.u32 s9, $0xF7A;
	s5 =	simm.s32 @!p2 $0x0  }
0x1d: {  	s5 =	simm.s32 @p1 $0x1;
	p0 =	seq.s32 s7, s2  }
0x1e: {  	s7 =	smul.u32 @!p0 $0xF7A, s2;
	p2 =	seq.s32 @!p0 s5, $0x0  }
0x1f: {  	s9 =	smul.u32 $0xF7A, s1;
	s8 =	simm.s32 @!p0 $0x1BF5;
	p2 =	por !p2, p0  }
0x20: {  	[sflag:s8] =	ssyncset.s32 @!p0 $0xFFFFF086;
	s6 =	sadd.s32 @!p0 s3, s7;
	s7 =	simm.s32 @!p0 $0x108  }
0x21: {  	s3 =	sadd.s32 s3, s9;
	s6 =	sadd.s32 @!p0 $0x88, s6;
	s7 =	simm.s32 @p2 $0x1082  }
0x22: {  	[simem:s7], [sflag:s8] =	dma.local @!p0 [hbm:s6], $0xF7A  }
0x23: {  	s9 =	sor.u32 $0xD0000000, s2;
	s6 =	simm.s32 $0x108;
	_ =	swait.ge @!p0 [sflag:s8], $0x0  }
0x24: {  	s3 =	sadd.s32 $0x88, s3;
	s6 =	simm.s32 @!p1 $0x1082;
	[sflag:s4] =	ssyncset.s32 $0xFFFFF086  }
0x25: {  	[simem:s6], [sflag:s4] =	dma.local [hbm:s3], $0xF7A  }
0x26: {  	[smem:$0x3F94] =	sst s1;
	(tag) =	ssettag s2;
	_ =	strace s9  }
0x27: {  	s1 =	sld [smem:$0x3FA4]  }
0x28: {  	s2 =	sld [smem:$0x3FA5]  }
0x29: {  	s4 =	sld [smem:$0x3FA7]  }
0x2a: {  	p0 =	seq.s32 s5, $0x0;
	s5 =	sld [smem:$0x3FA8]  }
0x2b: {  	s6 =	sld [smem:$0x3FA9]  }
0x2c: {  	s7 =	sld [smem:$0x3FAA]  }
0x2d: {  	s3 =	simm.s32 $0x108;
	s8 =	sld [smem:$0x3FAB]  }
0x2e: {  	s3 =	simm.s32 @!p0 $0x1082;
	s9 =	sld [smem:$0x3FAC]  }
0x2f: {  	lr =	sadd.s32 s0, s3;
	s0 =	sld [smem:$0x3FA3]  }
0x30: {  	s3 =	sld [smem:$0x3FA6]  }
0x31: {  	[smem:$0x3FAF] =	sst s10  }
0x32: {  	s10 =	sld [smem:$0x3FAD];
	_ =	sdelay $0x3  }
0x33: {  	p0 =	seq.s32 s10, $0x1;
	s10 =	sld [smem:$0x3FAF];
	_ =	sdelay $0x3  }
0x34: {  	[smem:$0x3FAF] =	sst s10  }
0x35: {  	s10 =	sld [smem:$0x3FAE];
	_ =	sdelay $0x3  }
0x36: {  	p1 =	seq.s32 s10, $0x1;
	s10 =	sld [smem:$0x3FAF];
	_ =	sdelay $0x3  }
0x37: {  	[smem:$0x3FAF] =	sst s10  }
0x38: {  	s10 =	sld [smem:$0x3FB0]  }
0x39: {  	_ = 	snop;
	(pc) =	sbr.ind lr, $3  }
0x3a: {  	_ = 	snop  }
0x3b: {  	_ = 	snop  }
0x3c: {  	p2 =	seq.s32 s10, $0x1;
	s10 =	sld [smem:$0x3FAF]  }
0x3d: {  	_ =	shalt  }
0x3e: {  	_ =	shalt  }
0x3f: {  	_ =	shalt  }
0x40: {  	_ =	shalt  }
0x41: {  	_ =	shalt  }
0x42: {  	_ =	shalt  }
0x43: {  	_ =	shalt  }
0x44: {  	_ =	shalt  }
0x45: {  	_ =	shalt  }
0x46: {  	_ =	shalt  }
0x47: {  	_ =	shalt  }
0x48: {  	_ =	shalt  }
0x49: {  	_ =	shalt  }
0x4a: {  	_ =	shalt  }
0x4b: {  	_ =	shalt  }
0x4c: {  	_ =	shalt  }
0x4d: {  	_ =	shalt  }
0x4e: {  	_ =	shalt  }
0x4f: {  	_ =	shalt  }
0x50: {  	_ =	shalt  }
0x51: {  	_ =	shalt  }
0x52: {  	_ =	shalt  }
0x53: {  	_ =	shalt  }
0x54: {  	_ =	shalt  }
0x55: {  	_ =	shalt  }
0x56: {  	_ =	shalt  }
0x57: {  	_ =	shalt  }
0x58: {  	_ =	shalt  }
0x59: {  	_ =	shalt  }
0x5a: {  	_ =	shalt  }
0x5b: {  	_ =	shalt  }
0x5c: {  	_ =	shalt  }
0x5d: {  	_ =	shalt  }
0x5e: {  	_ =	shalt  }
0x5f: {  	_ =	shalt  }
0x60: {  	_ =	shalt  }
0x61: {  	_ =	shalt  }
0x62: {  	_ =	shalt  }
0x63: {  	_ =	shalt  }
0x64: {  	_ =	shalt  }
0x65: {  	_ =	shalt  }
0x66: {  	_ =	shalt  }
0x67: {  	_ =	shalt  }
0x68: {  	_ =	shalt  }
0x69: {  	_ =	shalt  }
0x6a: {  	_ =	shalt  }
0x6b: {  	_ =	shalt  }
0x6c: {  	_ =	shalt  }
0x6d: {  	_ =	shalt  }
0x6e: {  	_ =	shalt  }
0x6f: {  	_ =	shalt  }
0x70: {  	_ =	shalt  }
0x71: {  	_ =	shalt  }
0x72: {  	_ =	shalt  }
0x73: {  	_ =	shalt  }
0x74: {  	_ =	shalt  }
0x75: {  	_ =	shalt  }
0x76: {  	_ =	shalt  }
0x77: {  	_ =	shalt  }
0x78: {  	_ =	shalt  }
0x79: {  	_ =	shalt  }
0x7a: {  	_ =	shalt  }
0x7b: {  	_ =	shalt  }
0x7c: {  	_ =	shalt  }
0x7d: {  	_ =	shalt  }
0x7e: {  	_ =	shalt  }
0x7f: {  	_ =	shalt  }
0x80: {  	_ =	shalt  }
0x81: {  	_ =	shalt  }
0x82: {  	_ =	shalt  }
0x83: {  	_ =	shalt  }
0x84: {  	_ =	shalt  }
0x85: {  	_ =	shalt  }
0x86: {  	_ =	shalt  }
0x87: {  	_ =	shalt  }
.Lfunc_end0:
.L_simem_size_0:
called_computation.1_lowered:
.L_overlay_start_0:
0x88: {  	s2 =	sld [smem:$0x3FD9]  }
0x89: {  	s3 =	sld [smem:$0x3FFE];
	_ =	sdelay $0x1  }
0x8a: {  	s1 =	srdreg.scid  }
0x8b: {  	s0 =	sand.u32 $0x1, s1  }
0x8c: {  	s16 =	sshll.u32 s0, $0xA;
	s2 =	sadd.s32 s3, s2  }
0x8d: {  	s2 =	sadd.s32 s2, s16  }
0x8e: {  	[smem:$0x3FBB] =	sst s2  }
0x8f: {  	_ = 	snop  }
0x90: {  	(tm) =	ssettm $0x1  }
0x91: {  	s17 =	sld [smem:$0x3FFB];
	_ =	sdelay $0x3  }
0x92: {  	_ =	strace s17  }
0x93: {  	s2 =	sld [smem:$0x3FFC];
	_ =	sdelay $0x3  }
0x94: {  	_ =	strace s2  }
0x95: {  	s2 =	sld [smem:$0x3FFD];
	_ =	sdelay $0x3  }
0x96: {  	_ =	strace s2  }
0x97: {  	_ =	strace $0x8FFFFFFF  }
0x98: {  	s18 =	sld [smem:$0x3FDB];
	_ =	sdelay $0x1  }
0x99: {  	s19 =	simm.s32 $_scs_section_size  }
0x9a: {  	s4 =	simm.s32 $_size__tile_overlayer_lowered;
	s5 =	simm.s32 $_tile_overlayer_lowered  }
0x9b: {  	s22 =	simm.s32 $0x1BFF;
	s21 =	sshll.u32 s5, $0x1;
	s2 =	sadd.s32 s19, s18  }
0x9c: {  	s6 =	simm.s32 $0x0;
	s20 =	sshll.u32 s4, $0x1;
	s4 =	sadd.s32 s21, s2  }
0x9d: {  	[timem:s6], [sflag:s22] =	dma.local [hbm:s4], s20  }
0x9e: {  	_ =	swait.ge [sflag:s22], s20  }
0x9f: {  	s3 =	ssub.s32 $0x0, s20;
	[sflag:s22] =	ssyncset.done $0x0  }
0xa0: {  	[sflag:s22] =	ssyncadd.s32 s3;
	_ =	sdelay $0x1  }
0xa1: {  	s23 =	simm.s32 $0x1B8B  }
0xa2: {  	_ =	swait.ge [sflag:s23], $0x1  }
0xa3: {  	[sflag:s23] =	ssyncset.done $0x0  }
0xa4: {  	s25 =	simm.s32 $0x1B8E;
	s24 =	sld [smem:$0x3FFE];
	[sflag:s23] =	ssyncadd.s32 $0xFFFFFFFF  }
0xa5: {  	s26 =	simm.s32 $execute0_lowered;
	[smem:$0x3FD2] =	sst s25  }
0xa6: {  	s4 =	sshll.u32 s26, $0x1;
	_ =	strace $0x80000049;
	[dreg:$0x1] =	wrdreg $0xFFFFFFFF  }
0xa7: {  	s28 =	simm.s32 $_size_execute0_lowered;
	s2 =	sadd.s32 s2, s4;
	[dreg:$0x0] =	wrdreg $0x0  }
0xa8: {  	s4 =	sshll.u32 s28, $0x1;
	[dreg:$0x2] =	wrdreg s2  }
0xa9: {  	[dreg:$0x3] =	wrdreg s4  }
0xaa: {  	[dreg:$0x4] =	wrdreg $0xC0  }
0xab: {  	_ =	task [dreg:s6], $0x5FFFF  }
0xac: {  	[dreg:$0x1] =	wrdreg $0xFFFFFFFF  }
0xad: {  	[dreg:$0x0] =	wrdreg $0x60  }
0xae: {  	[dreg:$0x2] =	wrdreg s24  }
0xaf: {  	[dreg:$0x3] =	wrdreg $0x9  }
0xb0: {  	_ =	task.clear_ibuf [dreg:s6], $0x4FFFF;
	_ =	strace $0x90000049  }
0xb1: {  	s29 =	simm.s32 $0x9;
	_ =	strace $0x8000004B  }
0xb2: {  	_ =	swait.ge [sflag:s29], $0x1  }
0xb3: {  	[sflag:s29] =	ssyncadd.s32 $0xFFFFFFFF  }
0xb4: {  	_ =	strace $0x9000004B  }
0xb5: {  	_ =	sfence  }
0xb6: {  	s30 =	sld [smem:$0x0];
	_ =	sdelay $0x2  }
0xb7: {  	s31 =	sshll.u32 s1, $0xD;
	s1 =	sshrl.u32 s1, $0x2  }
0xb8: {  	s3 =	sand.u32 $0x4000, s31;
	s1 =	sadd.s32 s1, s30  }
0xb9: {  	s0 =	sor.u32 s3, s0;
	s1 =	sshll.u32 s1, $0x11  }
0xba: {  	s0 =	sor.u32 s1, s0  }
0xbb: {  	s0 =	sadd.s32 $0x8F2B, s0  }
0xbc: {  	[sflag:s0] =	ssyncadd.remote.s32 $0x1  }
0xbd: {  	_ =	sfence.sel $0xFFFF  }
0xbe: {  	[dreg:$0x0] =	wrdreg $0xFFFFFFFF;
	(pc) =	sbr.abs _section_cstart, $3  }
0xbf: {  	[dreg:$0x1] =	wrdreg $0xFFFFFFFF  }
0xc0: {  	_ =	task.clear_ibuf [dreg:s6], $0x2FFFF;
	_ =	strace $0x9FFFFFFF  }
0xc1: {  	(tm) =	ssettm $0x7FFFFFFF  }
tec
execute0_lowered:
.L_overlay_start_1:
0x0: {  	(tag) =	ssettag $0x1  }
0x1: {  	s4 =	rddreg [dreg:$0x0];
	s3 =	simm.s32 $0x0  }
0x2: {  	s0 =	srdreg.scid;
	s1 =	stileid.u32;
	s18 =	simm.s32 $0x1  }
0x3: {  	s19 =	simm.s32 $0x6080;
	s20 =	simm.s32 $0x6880;
	s21 =	simm.s32 $0x7080  }
0x4: {  	s22 =	simm.s32 $0x7880;
	s23 =	simm.s32 $0x8080;
	s24 =	simm.s32 $0x8880  }
0x5: {  	s25 =	simm.s32 $0x9080;
	s28 =	simm.s32 $0xA080;
	s29 =	simm.s32 $0xA880  }
0x6: {  	s30 =	simm.s32 $0xB080;
	s31 =	simm.s32 $0xB880;
	s12 =	simm.s32 $0xD880  }
0x7: {  	s13 =	simm.s32 $0x0;
	[smem:$0x7FF] =	sst s3;
	s0 =	sand.u32 $0x1, s0  }
0x8: {  	s1 =	sshll.u32 s1, $0x1;
	s2 =	sadd.s32 $0x9E00, s4;
	s5 =	sadd.s32 $0x31600, s4  }
0x9: {  	s6 =	sadd.s32 $0x27800, s4;
	s7 =	sadd.s32 $0x1DA00, s4;
	s1 =	sor.u32 s0, s1  }
0xa: {  	s8 =	sadd.s32 $0x13C00, s4;
	s9 =	sadd.s32 $0x3B400, s4;
	s26 =	smul.u32 $0x1400, s1  }
0xb: {  	_ =	strace $0x8000004A;
	s0 =	ssub.s32 $0x2, s0;
	s1 =	smul.u32 $0x140, s1  }
.Ltmp0:
0xc: {  	[dreg:$0x2] =	wrdreg s2;
	s10 =	sshrl.u32 s0, $0x1;
	(pc) =	sbr.rel .LBB2_1-.Ltmp0, $4  }
0xd: {  	v2 =	vimm.f32 $0.0e+00;
	s0 =	ssub.s32 s0, s10;
	s10 =	sadd.s32 $0x3B500, s4;
	s2 =	sadd.s32 s26, s4  }
0xe: {  	v6 =	vlaneseq.u32;
	v3 =	vimm.s32 $0x0;
	vm0 =	vmmov $0xffff;
	s11 =	sadd.s32 $0x140, s1;
	s0 =	smax.u32 s0, $0x1;
	s26 =	simm.s32 $0x9880  }
0xf: {  	v4 =	vand.u32 $0x7, v6;
	v5 =	vshrl.u32 v6, $0x3;
	v6 =	vor.u32 $0x8, v6;
	s2 =	sadd.s32 $0xD7800, s2;
	[dreg:$0x4] =	wrdreg s0;
	s0 =	simm.s32 $0xC080  }
0x10: {  	v5 =	vmul.u32 $0x8, v5;
	v0 =	vmov s1;
	v1 =	vmov s11;
	s11 =	simm.s32 $0xD080;
	[dreg:$0x3] =	wrdreg s2;
	s2 =	simm.s32 $0xC880  }
.LBB2_11:
0x11: {  	s1 =	rddreg [dreg:$0x3];
	s4 =	simm.s32 $0xE080;
	s16 =	simm.s32 $0x2  }
0x12: {  	[hbm4b:s1+s3] =	stream.linear.scatter [tilespmem:s4], [sflag:$0x2], $0xA000, $0x38;
	[tilespmem:$0x18080] =	vst v63  }
0x13: {  	_ =	swait.ge [sflag:s16], $0xA000  }
0x14: {  	s13 =	rddreg [dreg:$0x5]  }
0x15: {  	s17 =	rddreg [dreg:$0x4];
	s13 =	sadd.s32 $0x1, s13  }
0x16: {  	p0 =	sne.s32 s13, s17  }
.Ltmp1:
0x17: {  	_ = 	snop;
	(pc) =	sbr.rel @!p0 .LBB2_12-.Ltmp1, $3  }
0x18: {  	_ =	sdelay $0x1  }
0x19: {  	[sflag:s16] =	ssyncset.done $0x0  }
0x1a: {  	[sflag:s16] =	ssyncadd.s32 $0xFFFF6000  }
.LBB2_1:
0x1b: {  	[dreg:$0x5] =	wrdreg s13;
	s13 =	simm.s32 $0x0;
	s1 =	simm.s32 $0x200  }
.LBB2_2:
0x1c: {  	p0 =	sne.s32 s1, $0x27E00;
	[tilespmem:s13+$0xE0F0] =	vst v2  }
0x1d: {  	[tilespmem:s13+$0xE080] =	vst v2  }
0x1e: {  	[tilespmem:s13+$0xE090] =	vst v2  }
.Ltmp2:
0x1f: {  	[tilespmem:s13+$0xE0A0] =	vst v2;
	(pc) =	sbr.rel @p0 .LBB2_2-.Ltmp2, $4  }
0x20: {  	[tilespmem:s13+$0xE0B0] =	vst v2  }
0x21: {  	[tilespmem:s13+$0xE0C0] =	vst v2  }
0x22: {  	[tilespmem:s13+$0xE0D0] =	vst v2  }
0x23: {  	[tilespmem:s13+$0xE0E0] =	vst v2;
	s13 =	sshra.s32 s1, $0x2;
	s1 =	sadd.s32 $0x200, s1  }
0x24: {  	[tilespmem:s13+$0xE0F0] =	vst v2  }
0x25: {  	[tilespmem:s13+$0xE080] =	vst v2  }
0x26: {  	[tilespmem:s13+$0xE090] =	vst v2  }
0x27: {  	[tilespmem:s13+$0xE0A0] =	vst v2  }
0x28: {  	[tilespmem:s13+$0xE0B0] =	vst v2  }
0x29: {  	[tilespmem:s13+$0xE0C0] =	vst v2  }
0x2a: {  	[tilespmem:s13+$0xE0D0] =	vst v2  }
0x2b: {  	s1 =	simm.s32 $0x0;
	[tilespmem:s13+$0xE0E0] =	vst v2;
	s13 =	simm.s32 $0x40;
	s14 =	simm.s32 $0x0  }
.LBB2_4:
0x2c: {  	p0 =	sne.s32 s13, $0x1FC0;
	[tilespmem:s14+$0x3000] =	vst v3;
	s15 =	smov.u32 s13;
	s13 =	sadd.s32 $0x40, s13  }
.Ltmp3:
0x2d: {  	[tilespmem:s14+$0x3880] =	vst v3;
	(pc) =	sbr.rel @p0 .LBB2_4-.Ltmp3, $2  }
0x2e: {  	_ =	sdelay $0x2  }
0x2f: {  	s14 =	sshra.s32 s15, $0x2  }
.Ltmp4:
0x30: {  	(pc) =	sbr.rel .LBB2_6-.Ltmp4, $3  }
0x31: {  	_ =	sdelay $0x1  }
0x32: {  	[tilespmem:s14+$0x3000] =	vst v3  }
0x33: {  	[tilespmem:s14+$0x3880] =	vst v3  }
.LBB2_10:
0x34: {  	s1 =	sadd.s32 $0x1, s1  }
0x35: {  	p0 =	sne.s32 s1, $0xA0  }
.Ltmp5:
0x36: {  	_ = 	snop;
	(pc) =	sbr.rel @!p0 .LBB2_11-.Ltmp5, $1  }
0x37: {  	_ =	sdelay $0x3  }
.LBB2_6:
0x38: {  	s14 =	smul.u32 $0xFA, s1  }
0x39: {  	s4 =	rddreg [dreg:$0x2]  }
0x3a: {  	s13 =	simm.s32 $0x0;
	s15 =	sadd.s32 s4, s14  }
0x3b: {  	[tilespmem:s13], [sflag:$0x1] =	stream.linear.gather [hbm4b:s15+s13], $0x7D0, $0x38;
	[tilespmem:$0x18080] =	vst v63  }
0x3c: {  	s15 =	rddreg [dreg:$0x0]  }
0x3d: {  	s17 =	simm.s32 $0x800;
	s16 =	sadd.s32 s15, s14  }
0x3e: {  	[tilespmem:s17], [sflag:$0x1] =	stream.linear.gather [hbm4b:s16+s13], $0x7D0, $0x38;
	[tilespmem:$0x18080] =	vst v63  }
0x3f: {  	s16 =	sadd.s32 s5, s14;
	s17 =	simm.s32 $0x1000  }
0x40: {  	[tilespmem:s17], [sflag:$0x1] =	stream.linear.gather [hbm4b:s16+s13], $0x7D0, $0x38;
	[tilespmem:$0x18080] =	vst v63  }
0x41: {  	s16 =	sadd.s32 s6, s14;
	s17 =	simm.s32 $0x1800  }
0x42: {  	[tilespmem:s17], [sflag:$0x1] =	stream.linear.gather [hbm4b:s16+s13], $0x7D0, $0x38;
	[tilespmem:$0x18080] =	vst v63  }
0x43: {  	s16 =	sadd.s32 s7, s14;
	s17 =	simm.s32 $0x2000  }
0x44: {  	[tilespmem:s17], [sflag:$0x1] =	stream.linear.gather [hbm4b:s16+s13], $0x7D0, $0x38;
	[tilespmem:$0x18080] =	vst v63  }
0x45: {  	s14 =	sadd.s32 s8, s14;
	s16 =	simm.s32 $0x2800  }
0x46: {  	[tilespmem:s16], [sflag:$0x1] =	stream.linear.gather [hbm4b:s14+s13], $0x7D0, $0x38;
	[tilespmem:$0x18080] =	vst v63  }
0x47: {  	_ =	swait.ge [sflag:s18], $0x7D0  }
0x48: {  	[sflag:s18] =	ssyncset.done $0x0  }
0x49: {  	[sflag:s18] =	ssyncadd.s32 $0xFFFFF830  }
0x4a: {  	_ =	swait.ge [sflag:s18], $0x7D0  }
0x4b: {  	[sflag:s18] =	ssyncset.done $0x0  }
0x4c: {  	[sflag:s18] =	ssyncadd.s32 $0xFFFFF830  }
0x4d: {  	_ =	swait.ge [sflag:s18], $0x7D0  }
0x4e: {  	[sflag:s18] =	ssyncset.done $0x0  }
0x4f: {  	[sflag:s18] =	ssyncadd.s32 $0xFFFFF830  }
0x50: {  	_ =	swait.ge [sflag:s18], $0x7D0  }
0x51: {  	[sflag:s18] =	ssyncset.done $0x0  }
0x52: {  	[sflag:s18] =	ssyncadd.s32 $0xFFFFF830  }
0x53: {  	_ =	swait.ge [sflag:s18], $0x7D0  }
0x54: {  	[sflag:s18] =	ssyncset.done $0x0  }
0x55: {  	[sflag:s18] =	ssyncadd.s32 $0xFFFFF830  }
0x56: {  	_ =	swait.ge [sflag:s18], $0x7D0  }
0x57: {  	[sflag:s18] =	ssyncset.done $0x0  }
0x58: {  	s17 =	simm.s32 $0x0;
	[sflag:s18] =	ssyncadd.s32 $0xFFFFF830  }
0x59: {  	v7 =	vld [tilespmem:s17+$0x800];
	_ =	sdelay $0x4  }
0x5a: {  	vm1 =	vge.s32 v7, v0;
	vm2 =	vlt.s32 v7, v1  }
0x5b: {  	vm1 =	vmand vm1, vm2  }
0x5c: {  	v8 =	vmpcnt.ones.xlane vm1;
	_ =	sdelay $0x1  }
0x5d: {  	(v2sf) =	vpush v8, $0x0;
	_ =	sdelay $0xe  }
0x5e: {  	s4 =	spop (v2sf)  }
0x5f: {  	p1 =	slt.s32 s4, $0x1  }
0x60: {  	s17 =	simm.s32 @!p1 $0x0  }
0x61: {  	v8 =	vld @!p1 [tilespmem:s17+$0x0];
	_ =	sdelay $0x4  }
0x62: {  	v7 =	vsub.s32 @!p1 v7, v0;
	[tilespmem:s13+$0x3000] =	vst.msk @!p1 vm1, v8  }
0x63: {  	[tilespmem:s13+$0x3880] =	vst.msk @!p1 vm1, v7  }
0x64: {  	v7 =	vld @!p1 [tilespmem:s17+$0x1000];
	_ =	sdelay $0x4  }
0x65: {  	[tilespmem:s13+$0x4080] =	vst.msk @!p1 vm1, v7  }
0x66: {  	v7 =	vld @!p1 [tilespmem:s17+$0x1800];
	_ =	sdelay $0x4  }
0x67: {  	[tilespmem:s13+$0x4880] =	vst.msk @!p1 vm1, v7  }
0x68: {  	v7 =	vld @!p1 [tilespmem:s17+$0x2000];
	_ =	sdelay $0x4  }
0x69: {  	[tilespmem:s13+$0x5080] =	vst.msk @!p1 vm1, v7  }
0x6a: {  	s15 =	simm.s32 $0x40;
	s16 =	simm.s32 $0x80;
	s14 =	sadd.s32 $0x0, s4;
	v7 =	vld @!p1 [tilespmem:s17+$0x2800]  }
.LBB2_7:
0x6b: {  	_ =	sdelay $0x3  }
0x6c: {  	s17 =	sshra.s32 s15, $0x2;
	s4 =	smov.u32 s16;
	s16 =	sadd.s32 $0x40, s16;
	[tilespmem:s13+$0x5880] =	vst.msk @!p1 vm1, v7  }
0x6d: {  	p0 =	sne.s32 s16, $0x1F40;
	s13 =	smov.u32 s14;
	v7 =	vld [tilespmem:s17+$0x800];
	_ =	sdelay $0x4  }
0x6e: {  	vm1 =	vge.s32 v7, v0;
	vm2 =	vlt.s32 v7, v1  }
0x6f: {  	vm1 =	vmand vm1, vm2  }
0x70: {  	v8 =	vmpcnt.ones.xlane vm1;
	_ =	sdelay $0x1  }
0x71: {  	(v2sf) =	vpush v8, $0x0;
	_ =	sdelay $0xe  }
0x72: {  	s17 =	spop (v2sf)  }
0x73: {  	p1 =	slt.s32 s17, $0x1;
	s14 =	sadd.s32 s14, s17  }
0x74: {  	s17 =	sshra.s32 @!p1 s15, $0x2;
	v7 =	vsub.s32 @!p1 v7, v0;
	s15 =	smov.u32 s4  }
0x75: {  	v8 =	vld @!p1 [tilespmem:s17+$0x0];
	_ =	sdelay $0x4  }
0x76: {  	[tilespmem:s13+$0x3000] =	vst.msk @!p1 vm1, v8  }
0x77: {  	[tilespmem:s13+$0x3880] =	vst.msk @!p1 vm1, v7  }
0x78: {  	v7 =	vld @!p1 [tilespmem:s17+$0x1000];
	_ =	sdelay $0x4  }
0x79: {  	[tilespmem:s13+$0x4080] =	vst.msk @!p1 vm1, v7  }
0x7a: {  	v7 =	vld @!p1 [tilespmem:s17+$0x1800];
	_ =	sdelay $0x4  }
0x7b: {  	[tilespmem:s13+$0x4880] =	vst.msk @!p1 vm1, v7  }
0x7c: {  	v7 =	vld @!p1 [tilespmem:s17+$0x2000];
	_ =	sdelay $0x1  }
.Ltmp6:
0x7d: {  	(pc) =	sbr.rel @p0 .LBB2_7-.Ltmp6, $3  }
0x7e: {  	_ =	sdelay $0x1  }
0x7f: {  	[tilespmem:s13+$0x5080] =	vst.msk @!p1 vm1, v7  }
0x80: {  	v7 =	vld @!p1 [tilespmem:s17+$0x2800]  }
0x81: {  	_ =	sdelay $0x3  }
0x82: {  	s4 =	sshra.s32 s15, $0x2;
	[tilespmem:s13+$0x5880] =	vst.msk @!p1 vm1, v7  }
0x83: {  	v7 =	vld [tilespmem:s4+$0x800];
	_ =	sdelay $0x4  }
0x84: {  	vm1 =	vge.s32 v7, v0;
	vm2 =	vlt.s32 v7, v1  }
0x85: {  	vm1 =	vmand vm1, vm2  }
0x86: {  	v8 =	vmpcnt.ones.xlane vm1;
	_ =	sdelay $0x1  }
0x87: {  	(v2sf) =	vpush v8, $0x0;
	_ =	sdelay $0xe  }
0x88: {  	s16 =	spop (v2sf)  }
0x89: {  	p0 =	slt.s32 s16, $0x1  }
0x8a: {  	s13 =	sshra.s32 @!p0 s15, $0x2  }
0x8b: {  	v8 =	vld @!p0 [tilespmem:s13+$0x0];
	_ =	sdelay $0x4  }
0x8c: {  	v7 =	vsub.s32 @!p0 v7, v0;
	[tilespmem:s14+$0x3000] =	vst.msk @!p0 vm1, v8  }
0x8d: {  	[tilespmem:s14+$0x3880] =	vst.msk @!p0 vm1, v7  }
0x8e: {  	v7 =	vld @!p0 [tilespmem:s13+$0x1000];
	_ =	sdelay $0x4  }
0x8f: {  	[tilespmem:s14+$0x4080] =	vst.msk @!p0 vm1, v7  }
0x90: {  	v7 =	vld @!p0 [tilespmem:s13+$0x1800];
	_ =	sdelay $0x4  }
0x91: {  	[tilespmem:s14+$0x4880] =	vst.msk @!p0 vm1, v7  }
0x92: {  	v7 =	vld @!p0 [tilespmem:s13+$0x2000]  }
0x93: {  	s4 =	sadd.s32 s14, s16  }
0x94: {  	s4 =	sadd.s32 $0x3F, s4  }
0x95: {  	s17 =	sand.u32 $0x3F, s4  }
0x96: {  	s16 =	sshra.s32 s4, $0x1F;
	p2 =	slt.s32 s4, $0x1;
	p6 =	sne.s32 s17, $0x0  }
0x97: {  	s17 =	sshrl.u32 s16, $0x1A;
	p1 =	por !p2, !p6;
	[tilespmem:s14+$0x5080] =	vst.msk @!p0 vm1, v7  }
0x98: {  	s4 =	sadd.s32 s17, s4;
	p1 =	por !p1, !p1;
	v7 =	vld @!p0 [tilespmem:s13+$0x2800];
	s13 =	simm.s32 $0x1  }
0x99: {  	s4 =	sshra.s32 s4, $0x6;
	s13 =	simm.s32 @!p1 $0x0  }
0x9a: {  	s13 =	ssub.s32 s4, s13  }
0x9b: {  	p1 =	slt.s32 s13, $0x1  }
.Ltmp7:
0x9c: {  	_ = 	snop;
	(pc) =	sbr.rel @p1 .LBB2_10-.Ltmp7, $2  }
0x9d: {  	_ =	sdelay $0x2  }
0x9e: {  	[tilespmem:s14+$0x5880] =	vst.msk @!p0 vm1, v7;
	s14 =	simm.s32 $0x3020  }
.LBB2_9:
0x9f: {  	v7 =	vld [tilespmem:s14+$0xFFFFFFE0];
	_ =	sdelay $0x4  }
0xa0: {  	[tilespmem:$0x3800] =	vst v7  }
0xa1: {  	v8 =	vld [tilespmem:s14+$0xFFFFFFF0];
	_ =	sdelay $0x4  }
0xa2: {  	[tilespmem:$0x3810] =	vst v8  }
0xa3: {  	v8 =	vld [tilespmem:s14+$0x0];
	_ =	sdelay $0x1  }
0xa4: {  	v9 =	vshll.u32 v7, $0x2  }
0xa5: {  	v7 =	vand.u32 $0x7, v7;
	v9 =	vand.u32 $0xFFFFFFE0, v9  }
0xa6: {  	v7 =	vor.u32 v7, v9  }
0xa7: {  	[tilespmem:$0x3820] =	vst v8;
	v8 =	vperm.xlane v7, v4  }
0xa8: {  	v63 =	vld [tilespmem:s14+$0x10]  }
0xa9: {  	v8 =	vadd.s32 v5, v8;
	_ =	sdelay $0x1  }
0xaa: {  	v7 =	vperm.xlane v7, v6;
	_ =	sdelay $0x1  }
0xab: {  	v7 =	vadd.s32 v5, v7;
	[tilespmem:$0x3830] =	vst v63  }
0xac: {  	[tilespmem:s19], [sflag:$0x1] =	stream.indirect_vreg.gather [hbm4b:s9+s3], $0x80, v8, vm0, $0xb8;
	[tilespmem:$0x18080] =	vst v63  }
0xad: {  	_ = 	snop  }
0xae: {  	[tilespmem:s20], [sflag:$0x1] =	stream.indirect_vreg.gather [hbm4b:s10+s3], $0x80, v8, vm0, $0xb8;
	[tilespmem:$0x18080] =	vst v63  }
0xaf: {  	_ = 	snop  }
0xb0: {  	[tilespmem:s21], [sflag:$0x1] =	stream.indirect_vreg.gather [hbm4b:s9+s3], $0x80, v7, vm0, $0xb8;
	[tilespmem:$0x18080] =	vst v63  }
0xb1: {  	_ = 	snop  }
0xb2: {  	[tilespmem:s22], [sflag:$0x1] =	stream.indirect_vreg.gather [hbm4b:s10+s3], $0x80, v7, vm0, $0xb8;
	[tilespmem:$0x18080] =	vst v63  }
0xb3: {  	v7 =	vld [tilespmem:$0x3810];
	_ =	sdelay $0x4  }
0xb4: {  	v8 =	vshll.u32 v7, $0x2  }
0xb5: {  	v7 =	vand.u32 $0x7, v7;
	v8 =	vand.u32 $0xFFFFFFE0, v8  }
0xb6: {  	v7 =	vor.u32 v7, v8  }
0xb7: {  	v8 =	vperm.xlane v7, v4;
	_ =	sdelay $0x1  }
0xb8: {  	v8 =	vadd.s32 v5, v8;
	_ =	sdelay $0x1  }
0xb9: {  	v7 =	vperm.xlane v7, v6;
	_ =	sdelay $0x1  }
0xba: {  	v7 =	vadd.s32 v5, v7  }
0xbb: {  	[tilespmem:s23], [sflag:$0x1] =	stream.indirect_vreg.gather [hbm4b:s9+s3], $0x80, v8, vm0, $0xb8;
	[tilespmem:$0x18080] =	vst v63  }
0xbc: {  	_ = 	snop  }
0xbd: {  	[tilespmem:s24], [sflag:$0x1] =	stream.indirect_vreg.gather [hbm4b:s10+s3], $0x80, v8, vm0, $0xb8;
	[tilespmem:$0x18080] =	vst v63  }
0xbe: {  	_ = 	snop  }
0xbf: {  	[tilespmem:s25], [sflag:$0x1] =	stream.indirect_vreg.gather [hbm4b:s9+s3], $0x80, v7, vm0, $0xb8;
	[tilespmem:$0x18080] =	vst v63  }
0xc0: {  	_ = 	snop  }
0xc1: {  	[tilespmem:s26], [sflag:$0x1] =	stream.indirect_vreg.gather [hbm4b:s10+s3], $0x80, v7, vm0, $0xb8;
	[tilespmem:$0x18080] =	vst v63  }
0xc2: {  	v7 =	vld [tilespmem:$0x3820];
	_ =	sdelay $0x4  }
0xc3: {  	v8 =	vshll.u32 v7, $0x2  }
0xc4: {  	v7 =	vand.u32 $0x7, v7;
	v8 =	vand.u32 $0xFFFFFFE0, v8  }
0xc5: {  	v7 =	vor.u32 v7, v8  }
0xc6: {  	v8 =	vperm.xlane v7, v4;
	_ =	sdelay $0x1  }
0xc7: {  	v8 =	vadd.s32 v5, v8;
	_ =	sdelay $0x1  }
0xc8: {  	v7 =	vperm.xlane v7, v6;
	_ =	sdelay $0x1  }
0xc9: {  	v7 =	vadd.s32 v5, v7  }
0xca: {  	[tilespmem:s28], [sflag:$0x1] =	stream.indirect_vreg.gather [hbm4b:s9+s3], $0x80, v8, vm0, $0xb8;
	[tilespmem:$0x18080] =	vst v63  }
0xcb: {  	_ = 	snop  }
0xcc: {  	[tilespmem:s29], [sflag:$0x1] =	stream.indirect_vreg.gather [hbm4b:s10+s3], $0x80, v8, vm0, $0xb8;
	[tilespmem:$0x18080] =	vst v63  }
0xcd: {  	_ = 	snop  }
0xce: {  	[tilespmem:s30], [sflag:$0x1] =	stream.indirect_vreg.gather [hbm4b:s9+s3], $0x80, v7, vm0, $0xb8;
	[tilespmem:$0x18080] =	vst v63  }
0xcf: {  	_ = 	snop  }
0xd0: {  	[tilespmem:s31], [sflag:$0x1] =	stream.indirect_vreg.gather [hbm4b:s10+s3], $0x80, v7, vm0, $0xb8;
	[tilespmem:$0x18080] =	vst v63  }
0xd1: {  	v7 =	vld [tilespmem:$0x3830];
	_ =	sdelay $0x4  }
0xd2: {  	v8 =	vshll.u32 v7, $0x2  }
0xd3: {  	v7 =	vand.u32 $0x7, v7;
	v8 =	vand.u32 $0xFFFFFFE0, v8  }
0xd4: {  	v7 =	vor.u32 v7, v8  }
0xd5: {  	v8 =	vperm.xlane v7, v4;
	_ =	sdelay $0x1  }
0xd6: {  	v8 =	vadd.s32 v5, v8;
	_ =	sdelay $0x1  }
0xd7: {  	v7 =	vperm.xlane v7, v6;
	_ =	sdelay $0x1  }
0xd8: {  	v7 =	vadd.s32 v5, v7  }
0xd9: {  	[tilespmem:s0], [sflag:$0x1] =	stream.indirect_vreg.gather [hbm4b:s9+s3], $0x80, v8, vm0, $0xb8;
	[tilespmem:$0x18080] =	vst v63  }
0xda: {  	_ = 	snop  }
0xdb: {  	[tilespmem:s2], [sflag:$0x1] =	stream.indirect_vreg.gather [hbm4b:s10+s3], $0x80, v8, vm0, $0xb8;
	[tilespmem:$0x18080] =	vst v63  }
0xdc: {  	p0 =	sne.s32 s13, $0x1  }
0xdd: {  	[tilespmem:s11], [sflag:$0x1] =	stream.indirect_vreg.gather [hbm4b:s9+s3], $0x80, v7, vm0, $0xb8;
	[tilespmem:$0x18080] =	vst v63  }
.Ltmp8:
0xde: {  	_ = 	snop;
	(pc) =	sbr.rel @p0 .LBB2_9-.Ltmp8, $4  }
0xdf: {  	[tilespmem:s12], [sflag:$0x1] =	stream.indirect_vreg.gather [hbm4b:s10+s3], $0x80, v7, vm0, $0xb8;
	[tilespmem:$0x18080] =	vst v63  }
0xe0: {  	_ =	swait.ge [sflag:s18], $0x8000  }
0xe1: {  	[sflag:s18] =	ssyncset.done $0x0  }
0xe2: {  	s13 =	sadd.s32 $0xFFFFFFFF, s13;
	s14 =	sadd.s32 $0x40, s14;
	[sflag:s18] =	ssyncadd.s32 $0xFFFF8000  }
.Ltmp9:
0xe3: {  	_ = 	snop;
	(pc) =	sbr.rel .LBB2_10-.Ltmp9, $1  }
0xe4: {  	_ =	sdelay $0x3  }
.LBB2_12:
0xe5: {  	_ =	sfence.sel $0x180000  }
0xe6: {  	[bflag:$0x0] =	sbarrier.arrive $0xFFFF  }
0xe7: {  	_ =	strace $0x9000004A  }
0xe8: {  	s0 =	stileid.u32;
	[bflag:$0x2] =	sbarrier.arrive $0xFFFF  }
0xe9: {  	p0 =	sne.s32 s0, $0x0;
	s0 =	rddreg [dreg:$0x1]  }
0xea: {  	s0 =	sadd.s32 @!p0 $0x100000, s0  }
0xeb: {  	[sflag:s0] =	ssyncadd.tile.s32 @!p0 $0x1;
	_ =	shalt  }
.Lfunc_end2:
_tile_overlayer_lowered:
.L_overlay_start_2:
0xec: {  	(tag) =	ssettag $0x2  }
0xed: {  	s0 =	rddreg [dreg:$0x0];
	s2 =	stileid.u32  }
0xee: {  	s1 =	rddreg [dreg:$0x1];
	p0 =	sne.s32 s2, $0x0  }
0xef: {  	s3 =	rddreg [dreg:$0x2];
	[bflag:$0x3] =	sbarrier.arrive $0xFFFF;
	s2 =	simm.s32 @!p0 $0x1C02  }
0xf0: {  	[timem:s3], [sflag:s2] =	dma.local @!p0 [hbm:s0], s1  }
0xf1: {  	s0 =	simm.s32 @!p0 $0x2  }
0xf2: {  	_ =	swait.ge @!p0 [sflag:s0], s1  }
0xf3: {  	s1 =	ssub.s32 @!p0 $0x0, s1;
	[sflag:s0] =	ssyncset.done @!p0 $0x0  }
0xf4: {  	[sflag:s0] =	ssyncadd.s32 @!p0 s1  }
0xf5: {  	[bflag:$0x3] =	sbarrier.arrive $0xFFFF  }
0xf6: {  	_ =	shalt  }

// kernel: kernel.7.cloned.1.call-start
scs
__scs_entry_jumppad:
0x0: {  	(pc) =	sbr.rel $0x88, $3  }
0x1: {  	(tag) =	ssettag $0x0;
	lr =	simm.s32 $0x1  }
0x2: {  	[smem:$0x3F94] =	sst lr;
	_ =	strace $0xD0000000  }
0x3: {  	_ = 	snop  }
0x4: {  	_ = 	snop  }
0x5: {  	_ = 	snop  }
0x6: {  	_ = 	snop  }
0x7: {  	_ = 	snop  }
__scs_overlays_trampoline_lowered:
0x8: {  	[smem:$0x3FA3] =	sst s0  }
0x9: {  	[smem:$0x3FA4] =	sst s1  }
0xa: {  	[smem:$0x3FA5] =	sst s2  }
0xb: {  	[smem:$0x3FA6] =	sst s3  }
0xc: {  	[smem:$0x3FA7] =	sst s4  }
0xd: {  	[smem:$0x3FA8] =	sst s5  }
0xe: {  	[smem:$0x3FA9] =	sst s6  }
0xf: {  	[smem:$0x3FAA] =	sst s7  }
0x10: {  	[smem:$0x3FAB] =	sst s8  }
0x11: {  	[smem:$0x3FAC] =	sst s9;
	s0 =	simm.s32 @!p0 $0x0  }
0x12: {  	s1 =	sld [smem:$0x3F92];
	s0 =	simm.s32 @p0 $0x1  }
0x13: {  	[smem:$0x3FAD] =	sst s0;
	s0 =	simm.s32 @!p1 $0x0  }
0x14: {  	s2 =	sld [smem:$0x3F91];
	s0 =	simm.s32 @p1 $0x1  }
0x15: {  	[smem:$0x3FAE] =	sst s0;
	s0 =	simm.s32 @!p2 $0x0  }
0x16: {  	s3 =	sld [smem:$0x3FDB];
	s0 =	simm.s32 @p2 $0x1  }
0x17: {  	s4 =	simm.s32 $0x1BF5;
	[smem:$0x3FB0] =	sst s0  }
0x18: {  	s0 =	sld [smem:$0x3F93];
	_ =	swait.ge [sflag:s4], $0x0  }
0x19: {  	s7 =	sld [smem:$0x3F94]  }
0x1a: {  	s8 =	sadd.s32 $0xFFFFE003, lr  }
0x1b: {  	s9 =	sadd.s32 $0xFFFFFEF7, lr;
	s5 =	simm.s32 $0xFFFFFFFF;
	p2 =	slt.u32 s8, $0xFFFFF086  }
0x1c: {  	p1 =	slt.u32 s9, $0xF7A;
	s5 =	simm.s32 @!p2 $0x0  }
0x1d: {  	s5 =	simm.s32 @p1 $0x1;
	p0 =	seq.s32 s7, s2  }
0x1e: {  	s7 =	smul.u32 @!p0 $0xF7A, s2;
	p2 =	seq.s32 @!p0 s5, $0x0  }
0x1f: {  	s9 =	smul.u32 $0xF7A, s1;
	s8 =	simm.s32 @!p0 $0x1BF5;
	p2 =	por !p2, p0  }
0x20: {  	[sflag:s8] =	ssyncset.s32 @!p0 $0xFFFFF086;
	s6 =	sadd.s32 @!p0 s3, s7;
	s7 =	simm.s32 @!p0 $0x108  }
0x21: {  	s3 =	sadd.s32 s3, s9;
	s6 =	sadd.s32 @!p0 $0x88, s6;
	s7 =	simm.s32 @p2 $0x1082  }
0x22: {  	[simem:s7], [sflag:s8] =	dma.local @!p0 [hbm:s6], $0xF7A  }
0x23: {  	s9 =	sor.u32 $0xD0000000, s2;
	s6 =	simm.s32 $0x108;
	_ =	swait.ge @!p0 [sflag:s8], $0x0  }
0x24: {  	s3 =	sadd.s32 $0x88, s3;
	s6 =	simm.s32 @!p1 $0x1082;
	[sflag:s4] =	ssyncset.s32 $0xFFFFF086  }
0x25: {  	[simem:s6], [sflag:s4] =	dma.local [hbm:s3], $0xF7A  }
0x26: {  	[smem:$0x3F94] =	sst s1;
	(tag) =	ssettag s2;
	_ =	strace s9  }
0x27: {  	s1 =	sld [smem:$0x3FA4]  }
0x28: {  	s2 =	sld [smem:$0x3FA5]  }
0x29: {  	s4 =	sld [smem:$0x3FA7]  }
0x2a: {  	p0 =	seq.s32 s5, $0x0;
	s5 =	sld [smem:$0x3FA8]  }
0x2b: {  	s6 =	sld [smem:$0x3FA9]  }
0x2c: {  	s7 =	sld [smem:$0x3FAA]  }
0x2d: {  	s3 =	simm.s32 $0x108;
	s8 =	sld [smem:$0x3FAB]  }
0x2e: {  	s3 =	simm.s32 @!p0 $0x1082;
	s9 =	sld [smem:$0x3FAC]  }
0x2f: {  	lr =	sadd.s32 s0, s3;
	s0 =	sld [smem:$0x3FA3]  }
0x30: {  	s3 =	sld [smem:$0x3FA6]  }
0x31: {  	[smem:$0x3FAF] =	sst s10  }
0x32: {  	s10 =	sld [smem:$0x3FAD];
	_ =	sdelay $0x3  }
0x33: {  	p0 =	seq.s32 s10, $0x1;
	s10 =	sld [smem:$0x3FAF];
	_ =	sdelay $0x3  }
0x34: {  	[smem:$0x3FAF] =	sst s10  }
0x35: {  	s10 =	sld [smem:$0x3FAE];
	_ =	sdelay $0x3  }
0x36: {  	p1 =	seq.s32 s10, $0x1;
	s10 =	sld [smem:$0x3FAF];
	_ =	sdelay $0x3  }
0x37: {  	[smem:$0x3FAF] =	sst s10  }
0x38: {  	s10 =	sld [smem:$0x3FB0]  }
0x39: {  	_ = 	snop;
	(pc) =	sbr.ind lr, $3  }
0x3a: {  	_ = 	snop  }
0x3b: {  	_ = 	snop  }
0x3c: {  	p2 =	seq.s32 s10, $0x1;
	s10 =	sld [smem:$0x3FAF]  }
0x3d: {  	_ =	shalt  }
0x3e: {  	_ =	shalt  }
0x3f: {  	_ =	shalt  }
0x40: {  	_ =	shalt  }
0x41: {  	_ =	shalt  }
0x42: {  	_ =	shalt  }
0x43: {  	_ =	shalt  }
0x44: {  	_ =	shalt  }
0x45: {  	_ =	shalt  }
0x46: {  	_ =	shalt  }
0x47: {  	_ =	shalt  }
0x48: {  	_ =	shalt  }
0x49: {  	_ =	shalt  }
0x4a: {  	_ =	shalt  }
0x4b: {  	_ =	shalt  }
0x4c: {  	_ =	shalt  }
0x4d: {  	_ =	shalt  }
0x4e: {  	_ =	shalt  }
0x4f: {  	_ =	shalt  }
0x50: {  	_ =	shalt  }
0x51: {  	_ =	shalt  }
0x52: {  	_ =	shalt  }
0x53: {  	_ =	shalt  }
0x54: {  	_ =	shalt  }
0x55: {  	_ =	shalt  }
0x56: {  	_ =	shalt  }
0x57: {  	_ =	shalt  }
0x58: {  	_ =	shalt  }
0x59: {  	_ =	shalt  }
0x5a: {  	_ =	shalt  }
0x5b: {  	_ =	shalt  }
0x5c: {  	_ =	shalt  }
0x5d: {  	_ =	shalt  }
0x5e: {  	_ =	shalt  }
0x5f: {  	_ =	shalt  }
0x60: {  	_ =	shalt  }
0x61: {  	_ =	shalt  }
0x62: {  	_ =	shalt  }
0x63: {  	_ =	shalt  }
0x64: {  	_ =	shalt  }
0x65: {  	_ =	shalt  }
0x66: {  	_ =	shalt  }
0x67: {  	_ =	shalt  }
0x68: {  	_ =	shalt  }
0x69: {  	_ =	shalt  }
0x6a: {  	_ =	shalt  }
0x6b: {  	_ =	shalt  }
0x6c: {  	_ =	shalt  }
0x6d: {  	_ =	shalt  }
0x6e: {  	_ =	shalt  }
0x6f: {  	_ =	shalt  }
0x70: {  	_ =	shalt  }
0x71: {  	_ =	shalt  }
0x72: {  	_ =	shalt  }
0x73: {  	_ =	shalt  }
0x74: {  	_ =	shalt  }
0x75: {  	_ =	shalt  }
0x76: {  	_ =	shalt  }
0x77: {  	_ =	shalt  }
0x78: {  	_ =	shalt  }
0x79: {  	_ =	shalt  }
0x7a: {  	_ =	shalt  }
0x7b: {  	_ =	shalt  }
0x7c: {  	_ =	shalt  }
0x7d: {  	_ =	shalt  }
0x7e: {  	_ =	shalt  }
0x7f: {  	_ =	shalt  }
0x80: {  	_ =	shalt  }
0x81: {  	_ =	shalt  }
0x82: {  	_ =	shalt  }
0x83: {  	_ =	shalt  }
0x84: {  	_ =	shalt  }
0x85: {  	_ =	shalt  }
0x86: {  	_ =	shalt  }
0x87: {  	_ =	shalt  }
.Lfunc_end0:
.L_simem_size_0:
called_computation_lowered:
.L_overlay_start_0:
0x88: {  	s2 =	sld [smem:$0x3FD9]  }
0x89: {  	s3 =	sld [smem:$0x3FFE];
	_ =	sdelay $0x1  }
0x8a: {  	s1 =	srdreg.scid  }
0x8b: {  	s0 =	sand.u32 $0x1, s1  }
0x8c: {  	s16 =	sshll.u32 s0, $0xA;
	s2 =	sadd.s32 s3, s2  }
0x8d: {  	s2 =	sadd.s32 s2, s16  }
0x8e: {  	[smem:$0x3FBB] =	sst s2  }
0x8f: {  	_ = 	snop  }
0x90: {  	(tm) =	ssettm $0x1  }
0x91: {  	s17 =	sld [smem:$0x3FFB];
	_ =	sdelay $0x3  }
0x92: {  	_ =	strace s17  }
0x93: {  	s2 =	sld [smem:$0x3FFC];
	_ =	sdelay $0x3  }
0x94: {  	_ =	strace s2  }
0x95: {  	s2 =	sld [smem:$0x3FFD];
	_ =	sdelay $0x3  }
0x96: {  	_ =	strace s2  }
0x97: {  	_ =	strace $0x8FFFFFFF  }
0x98: {  	s18 =	sld [smem:$0x3FDB];
	_ =	sdelay $0x1  }
0x99: {  	s19 =	simm.s32 $_scs_section_size  }
0x9a: {  	s4 =	simm.s32 $_size__tile_overlayer_lowered;
	s5 =	simm.s32 $_tile_overlayer_lowered  }
0x9b: {  	s22 =	simm.s32 $0x1BFF;
	s21 =	sshll.u32 s5, $0x1;
	s2 =	sadd.s32 s19, s18  }
0x9c: {  	s6 =	simm.s32 $0x0;
	s20 =	sshll.u32 s4, $0x1;
	s4 =	sadd.s32 s21, s2  }
0x9d: {  	[timem:s6], [sflag:s22] =	dma.local [hbm:s4], s20  }
0x9e: {  	_ =	swait.ge [sflag:s22], s20  }
0x9f: {  	s3 =	ssub.s32 $0x0, s20;
	[sflag:s22] =	ssyncset.done $0x0  }
0xa0: {  	[sflag:s22] =	ssyncadd.s32 s3;
	_ =	sdelay $0x1  }
0xa1: {  	s23 =	simm.s32 $0x1B8B  }
0xa2: {  	_ =	swait.ge [sflag:s23], $0x1  }
0xa3: {  	[sflag:s23] =	ssyncset.done $0x0  }
0xa4: {  	s25 =	simm.s32 $0x1B8E;
	s24 =	sld [smem:$0x3FFE];
	[sflag:s23] =	ssyncadd.s32 $0xFFFFFFFF  }
0xa5: {  	s26 =	simm.s32 $execute0_lowered;
	[smem:$0x3FD2] =	sst s25  }
0xa6: {  	s4 =	sshll.u32 s26, $0x1;
	_ =	strace $0x80000046;
	[dreg:$0x1] =	wrdreg $0xFFFFFFFF  }
0xa7: {  	s28 =	simm.s32 $_size_execute0_lowered;
	s2 =	sadd.s32 s2, s4;
	[dreg:$0x0] =	wrdreg $0x0  }
0xa8: {  	s4 =	sshll.u32 s28, $0x1;
	[dreg:$0x2] =	wrdreg s2  }
0xa9: {  	[dreg:$0x3] =	wrdreg s4  }
0xaa: {  	[dreg:$0x4] =	wrdreg $0xC0  }
0xab: {  	_ =	task [dreg:s6], $0x5FFFF  }
0xac: {  	[dreg:$0x1] =	wrdreg $0xFFFFFFFF  }
0xad: {  	[dreg:$0x0] =	wrdreg $0x60  }
0xae: {  	[dreg:$0x2] =	wrdreg s24  }
0xaf: {  	[dreg:$0x3] =	wrdreg $0x9  }
0xb0: {  	_ =	task.clear_ibuf [dreg:s6], $0x4FFFF;
	_ =	strace $0x90000046  }
0xb1: {  	s29 =	simm.s32 $0x9;
	_ =	strace $0x80000048  }
0xb2: {  	_ =	swait.ge [sflag:s29], $0x1  }
0xb3: {  	[sflag:s29] =	ssyncadd.s32 $0xFFFFFFFF  }
0xb4: {  	_ =	strace $0x90000048  }
0xb5: {  	_ =	sfence  }
0xb6: {  	s30 =	sld [smem:$0x0];
	_ =	sdelay $0x2  }
0xb7: {  	s31 =	sshll.u32 s1, $0xD;
	s1 =	sshrl.u32 s1, $0x2  }
0xb8: {  	s3 =	sand.u32 $0x4000, s31;
	s1 =	sadd.s32 s1, s30  }
0xb9: {  	s0 =	sor.u32 s3, s0;
	s1 =	sshll.u32 s1, $0x11  }
0xba: {  	s0 =	sor.u32 s1, s0  }
0xbb: {  	s0 =	sadd.s32 $0x8F2B, s0  }
0xbc: {  	[sflag:s0] =	ssyncadd.remote.s32 $0x1  }
0xbd: {  	_ =	sfence.sel $0xFFFF  }
0xbe: {  	[dreg:$0x0] =	wrdreg $0xFFFFFFFF;
	(pc) =	sbr.abs _section_cstart, $3  }
0xbf: {  	[dreg:$0x1] =	wrdreg $0xFFFFFFFF  }
0xc0: {  	_ =	task.clear_ibuf [dreg:s6], $0x2FFFF;
	_ =	strace $0x9FFFFFFF  }
0xc1: {  	(tm) =	ssettm $0x7FFFFFFF  }
tec
execute0_lowered:
.L_overlay_start_1:
0x0: {  	(tag) =	ssettag $0x1  }
0x1: {  	s4 =	rddreg [dreg:$0x0];
	s3 =	simm.s32 $0x0  }
0x2: {  	s0 =	srdreg.scid;
	s1 =	stileid.u32;
	s18 =	simm.s32 $0x1  }
0x3: {  	s19 =	simm.s32 $0x6080;
	s20 =	simm.s32 $0x6880;
	s21 =	simm.s32 $0x7080  }
0x4: {  	s22 =	simm.s32 $0x7880;
	s23 =	simm.s32 $0x8080;
	s24 =	simm.s32 $0x8880  }
0x5: {  	s25 =	simm.s32 $0x9080;
	s28 =	simm.s32 $0xA080;
	s29 =	simm.s32 $0xA880  }
0x6: {  	s30 =	simm.s32 $0xB080;
	s31 =	simm.s32 $0xB880;
	s12 =	simm.s32 $0xD880  }
0x7: {  	s13 =	simm.s32 $0x0;
	[smem:$0x7FF] =	sst s3;
	s0 =	sand.u32 $0x1, s0  }
0x8: {  	s1 =	sshll.u32 s1, $0x1;
	s2 =	sadd.s32 $0x9E00, s4;
	s5 =	sadd.s32 $0x31600, s4  }
0x9: {  	s6 =	sadd.s32 $0x27800, s4;
	s7 =	sadd.s32 $0x1DA00, s4;
	s1 =	sor.u32 s0, s1  }
0xa: {  	s8 =	sadd.s32 $0x13C00, s4;
	s9 =	sadd.s32 $0x3B400, s4;
	s26 =	smul.u32 $0x1400, s1  }
0xb: {  	_ =	strace $0x80000047;
	s0 =	ssub.s32 $0x2, s0;
	s1 =	smul.u32 $0x140, s1  }
.Ltmp0:
0xc: {  	[dreg:$0x2] =	wrdreg s2;
	s10 =	sshrl.u32 s0, $0x1;
	(pc) =	sbr.rel .LBB2_1-.Ltmp0, $4  }
0xd: {  	v2 =	vimm.f32 $0.0e+00;
	s0 =	ssub.s32 s0, s10;
	s10 =	sadd.s32 $0x3B500, s4;
	s2 =	sadd.s32 s26, s4  }
0xe: {  	v6 =	vlaneseq.u32;
	v3 =	vimm.s32 $0x0;
	vm0 =	vmmov $0xffff;
	s11 =	sadd.s32 $0x140, s1;
	s0 =	smax.u32 s0, $0x1;
	s26 =	simm.s32 $0x9880  }
0xf: {  	v4 =	vand.u32 $0x7, v6;
	v5 =	vshrl.u32 v6, $0x3;
	v6 =	vor.u32 $0x8, v6;
	s2 =	sadd.s32 $0xD7800, s2;
	[dreg:$0x4] =	wrdreg s0;
	s0 =	simm.s32 $0xC080  }
0x10: {  	v5 =	vmul.u32 $0x8, v5;
	v0 =	vmov s1;
	v1 =	vmov s11;
	s11 =	simm.s32 $0xD080;
	[dreg:$0x3] =	wrdreg s2;
	s2 =	simm.s32 $0xC880  }
.LBB2_11:
0x11: {  	s1 =	rddreg [dreg:$0x3];
	s4 =	simm.s32 $0xE080;
	s16 =	simm.s32 $0x2  }
0x12: {  	[hbm4b:s1+s3] =	stream.linear.scatter [tilespmem:s4], [sflag:$0x2], $0xA000, $0x38;
	[tilespmem:$0x18080] =	vst v63  }
0x13: {  	_ =	swait.ge [sflag:s16], $0xA000  }
0x14: {  	s13 =	rddreg [dreg:$0x5]  }
0x15: {  	s17 =	rddreg [dreg:$0x4];
	s13 =	sadd.s32 $0x1, s13  }
0x16: {  	p0 =	sne.s32 s13, s17  }
.Ltmp1:
0x17: {  	_ = 	snop;
	(pc) =	sbr.rel @!p0 .LBB2_12-.Ltmp1, $3  }
0x18: {  	_ =	sdelay $0x1  }
0x19: {  	[sflag:s16] =	ssyncset.done $0x0  }
0x1a: {  	[sflag:s16] =	ssyncadd.s32 $0xFFFF6000  }
.LBB2_1:
0x1b: {  	[dreg:$0x5] =	wrdreg s13;
	s13 =	simm.s32 $0x0;
	s1 =	simm.s32 $0x200  }
.LBB2_2:
0x1c: {  	p0 =	sne.s32 s1, $0x27E00;
	[tilespmem:s13+$0xE0F0] =	vst v2  }
0x1d: {  	[tilespmem:s13+$0xE080] =	vst v2  }
0x1e: {  	[tilespmem:s13+$0xE090] =	vst v2  }
.Ltmp2:
0x1f: {  	[tilespmem:s13+$0xE0A0] =	vst v2;
	(pc) =	sbr.rel @p0 .LBB2_2-.Ltmp2, $4  }
0x20: {  	[tilespmem:s13+$0xE0B0] =	vst v2  }
0x21: {  	[tilespmem:s13+$0xE0C0] =	vst v2  }
0x22: {  	[tilespmem:s13+$0xE0D0] =	vst v2  }
0x23: {  	[tilespmem:s13+$0xE0E0] =	vst v2;
	s13 =	sshra.s32 s1, $0x2;
	s1 =	sadd.s32 $0x200, s1  }
0x24: {  	[tilespmem:s13+$0xE0F0] =	vst v2  }
0x25: {  	[tilespmem:s13+$0xE080] =	vst v2  }
0x26: {  	[tilespmem:s13+$0xE090] =	vst v2  }
0x27: {  	[tilespmem:s13+$0xE0A0] =	vst v2  }
0x28: {  	[tilespmem:s13+$0xE0B0] =	vst v2  }
0x29: {  	[tilespmem:s13+$0xE0C0] =	vst v2  }
0x2a: {  	[tilespmem:s13+$0xE0D0] =	vst v2  }
0x2b: {  	s1 =	simm.s32 $0x0;
	[tilespmem:s13+$0xE0E0] =	vst v2;
	s13 =	simm.s32 $0x40;
	s14 =	simm.s32 $0x0  }
.LBB2_4:
0x2c: {  	p0 =	sne.s32 s13, $0x1FC0;
	[tilespmem:s14+$0x3000] =	vst v3;
	s15 =	smov.u32 s13;
	s13 =	sadd.s32 $0x40, s13  }
.Ltmp3:
0x2d: {  	[tilespmem:s14+$0x3880] =	vst v3;
	(pc) =	sbr.rel @p0 .LBB2_4-.Ltmp3, $2  }
0x2e: {  	_ =	sdelay $0x2  }
0x2f: {  	s14 =	sshra.s32 s15, $0x2  }
.Ltmp4:
0x30: {  	(pc) =	sbr.rel .LBB2_6-.Ltmp4, $3  }
0x31: {  	_ =	sdelay $0x1  }
0x32: {  	[tilespmem:s14+$0x3000] =	vst v3  }
0x33: {  	[tilespmem:s14+$0x3880] =	vst v3  }
.LBB2_10:
0x34: {  	s1 =	sadd.s32 $0x1, s1  }
0x35: {  	p0 =	sne.s32 s1, $0xA0  }
.Ltmp5:
0x36: {  	_ = 	snop;
	(pc) =	sbr.rel @!p0 .LBB2_11-.Ltmp5, $1  }
0x37: {  	_ =	sdelay $0x3  }
.LBB2_6:
0x38: {  	s14 =	smul.u32 $0xFA, s1  }
0x39: {  	s4 =	rddreg [dreg:$0x2]  }
0x3a: {  	s13 =	simm.s32 $0x0;
	s15 =	sadd.s32 s4, s14  }
0x3b: {  	[tilespmem:s13], [sflag:$0x1] =	stream.linear.gather [hbm4b:s15+s13], $0x7D0, $0x38;
	[tilespmem:$0x18080] =	vst v63  }
0x3c: {  	s15 =	rddreg [dreg:$0x0]  }
0x3d: {  	s17 =	simm.s32 $0x800;
	s16 =	sadd.s32 s15, s14  }
0x3e: {  	[tilespmem:s17], [sflag:$0x1] =	stream.linear.gather [hbm4b:s16+s13], $0x7D0, $0x38;
	[tilespmem:$0x18080] =	vst v63  }
0x3f: {  	s16 =	sadd.s32 s5, s14;
	s17 =	simm.s32 $0x1000  }
0x40: {  	[tilespmem:s17], [sflag:$0x1] =	stream.linear.gather [hbm4b:s16+s13], $0x7D0, $0x38;
	[tilespmem:$0x18080] =	vst v63  }
0x41: {  	s16 =	sadd.s32 s6, s14;
	s17 =	simm.s32 $0x1800  }
0x42: {  	[tilespmem:s17], [sflag:$0x1] =	stream.linear.gather [hbm4b:s16+s13], $0x7D0, $0x38;
	[tilespmem:$0x18080] =	vst v63  }
0x43: {  	s16 =	sadd.s32 s7, s14;
	s17 =	simm.s32 $0x2000  }
0x44: {  	[tilespmem:s17], [sflag:$0x1] =	stream.linear.gather [hbm4b:s16+s13], $0x7D0, $0x38;
	[tilespmem:$0x18080] =	vst v63  }
0x45: {  	s14 =	sadd.s32 s8, s14;
	s16 =	simm.s32 $0x2800  }
0x46: {  	[tilespmem:s16], [sflag:$0x1] =	stream.linear.gather [hbm4b:s14+s13], $0x7D0, $0x38;
	[tilespmem:$0x18080] =	vst v63  }
0x47: {  	_ =	swait.ge [sflag:s18], $0x7D0  }
0x48: {  	[sflag:s18] =	ssyncset.done $0x0  }
0x49: {  	[sflag:s18] =	ssyncadd.s32 $0xFFFFF830  }
0x4a: {  	_ =	swait.ge [sflag:s18], $0x7D0  }
0x4b: {  	[sflag:s18] =	ssyncset.done $0x0  }
0x4c: {  	[sflag:s18] =	ssyncadd.s32 $0xFFFFF830  }
0x4d: {  	_ =	swait.ge [sflag:s18], $0x7D0  }
0x4e: {  	[sflag:s18] =	ssyncset.done $0x0  }
0x4f: {  	[sflag:s18] =	ssyncadd.s32 $0xFFFFF830  }
0x50: {  	_ =	swait.ge [sflag:s18], $0x7D0  }
0x51: {  	[sflag:s18] =	ssyncset.done $0x0  }
0x52: {  	[sflag:s18] =	ssyncadd.s32 $0xFFFFF830  }
0x53: {  	_ =	swait.ge [sflag:s18], $0x7D0  }
0x54: {  	[sflag:s18] =	ssyncset.done $0x0  }
0x55: {  	[sflag:s18] =	ssyncadd.s32 $0xFFFFF830  }
0x56: {  	_ =	swait.ge [sflag:s18], $0x7D0  }
0x57: {  	[sflag:s18] =	ssyncset.done $0x0  }
0x58: {  	s17 =	simm.s32 $0x0;
	[sflag:s18] =	ssyncadd.s32 $0xFFFFF830  }
0x59: {  	v7 =	vld [tilespmem:s17+$0x800];
	_ =	sdelay $0x4  }
0x5a: {  	vm1 =	vge.s32 v7, v0;
	vm2 =	vlt.s32 v7, v1  }
0x5b: {  	vm1 =	vmand vm1, vm2  }
0x5c: {  	v8 =	vmpcnt.ones.xlane vm1;
	_ =	sdelay $0x1  }
0x5d: {  	(v2sf) =	vpush v8, $0x0;
	_ =	sdelay $0xe  }
0x5e: {  	s4 =	spop (v2sf)  }
0x5f: {  	p1 =	slt.s32 s4, $0x1  }
0x60: {  	s17 =	simm.s32 @!p1 $0x0  }
0x61: {  	v8 =	vld @!p1 [tilespmem:s17+$0x0];
	_ =	sdelay $0x4  }
0x62: {  	v7 =	vsub.s32 @!p1 v7, v0;
	[tilespmem:s13+$0x3000] =	vst.msk @!p1 vm1, v8  }
0x63: {  	[tilespmem:s13+$0x3880] =	vst.msk @!p1 vm1, v7  }
0x64: {  	v7 =	vld @!p1 [tilespmem:s17+$0x1000];
	_ =	sdelay $0x4  }
0x65: {  	[tilespmem:s13+$0x4080] =	vst.msk @!p1 vm1, v7  }
0x66: {  	v7 =	vld @!p1 [tilespmem:s17+$0x1800];
	_ =	sdelay $0x4  }
0x67: {  	[tilespmem:s13+$0x4880] =	vst.msk @!p1 vm1, v7  }
0x68: {  	v7 =	vld @!p1 [tilespmem:s17+$0x2000];
	_ =	sdelay $0x4  }
0x69: {  	[tilespmem:s13+$0x5080] =	vst.msk @!p1 vm1, v7  }
0x6a: {  	s15 =	simm.s32 $0x40;
	s16 =	simm.s32 $0x80;
	s14 =	sadd.s32 $0x0, s4;
	v7 =	vld @!p1 [tilespmem:s17+$0x2800]  }
.LBB2_7:
0x6b: {  	_ =	sdelay $0x3  }
0x6c: {  	s17 =	sshra.s32 s15, $0x2;
	s4 =	smov.u32 s16;
	s16 =	sadd.s32 $0x40, s16;
	[tilespmem:s13+$0x5880] =	vst.msk @!p1 vm1, v7  }
0x6d: {  	p0 =	sne.s32 s16, $0x1F40;
	s13 =	smov.u32 s14;
	v7 =	vld [tilespmem:s17+$0x800];
	_ =	sdelay $0x4  }
0x6e: {  	vm1 =	vge.s32 v7, v0;
	vm2 =	vlt.s32 v7, v1  }
0x6f: {  	vm1 =	vmand vm1, vm2  }
0x70: {  	v8 =	vmpcnt.ones.xlane vm1;
	_ =	sdelay $0x1  }
0x71: {  	(v2sf) =	vpush v8, $0x0;
	_ =	sdelay $0xe  }
0x72: {  	s17 =	spop (v2sf)  }
0x73: {  	p1 =	slt.s32 s17, $0x1;
	s14 =	sadd.s32 s14, s17  }
0x74: {  	s17 =	sshra.s32 @!p1 s15, $0x2;
	v7 =	vsub.s32 @!p1 v7, v0;
	s15 =	smov.u32 s4  }
0x75: {  	v8 =	vld @!p1 [tilespmem:s17+$0x0];
	_ =	sdelay $0x4  }
0x76: {  	[tilespmem:s13+$0x3000] =	vst.msk @!p1 vm1, v8  }
0x77: {  	[tilespmem:s13+$0x3880] =	vst.msk @!p1 vm1, v7  }
0x78: {  	v7 =	vld @!p1 [tilespmem:s17+$0x1000];
	_ =	sdelay $0x4  }
0x79: {  	[tilespmem:s13+$0x4080] =	vst.msk @!p1 vm1, v7  }
0x7a: {  	v7 =	vld @!p1 [tilespmem:s17+$0x1800];
	_ =	sdelay $0x4  }
0x7b: {  	[tilespmem:s13+$0x4880] =	vst.msk @!p1 vm1, v7  }
0x7c: {  	v7 =	vld @!p1 [tilespmem:s17+$0x2000];
	_ =	sdelay $0x1  }
.Ltmp6:
0x7d: {  	(pc) =	sbr.rel @p0 .LBB2_7-.Ltmp6, $3  }
0x7e: {  	_ =	sdelay $0x1  }
0x7f: {  	[tilespmem:s13+$0x5080] =	vst.msk @!p1 vm1, v7  }
0x80: {  	v7 =	vld @!p1 [tilespmem:s17+$0x2800]  }
0x81: {  	_ =	sdelay $0x3  }
0x82: {  	s4 =	sshra.s32 s15, $0x2;
	[tilespmem:s13+$0x5880] =	vst.msk @!p1 vm1, v7  }
0x83: {  	v7 =	vld [tilespmem:s4+$0x800];
	_ =	sdelay $0x4  }
0x84: {  	vm1 =	vge.s32 v7, v0;
	vm2 =	vlt.s32 v7, v1  }
0x85: {  	vm1 =	vmand vm1, vm2  }
0x86: {  	v8 =	vmpcnt.ones.xlane vm1;
	_ =	sdelay $0x1  }
0x87: {  	(v2sf) =	vpush v8, $0x0;
	_ =	sdelay $0xe  }
0x88: {  	s16 =	spop (v2sf)  }
0x89: {  	p0 =	slt.s32 s16, $0x1  }
0x8a: {  	s13 =	sshra.s32 @!p0 s15, $0x2  }
0x8b: {  	v8 =	vld @!p0 [tilespmem:s13+$0x0];
	_ =	sdelay $0x4  }
0x8c: {  	v7 =	vsub.s32 @!p0 v7, v0;
	[tilespmem:s14+$0x3000] =	vst.msk @!p0 vm1, v8  }
0x8d: {  	[tilespmem:s14+$0x3880] =	vst.msk @!p0 vm1, v7  }
0x8e: {  	v7 =	vld @!p0 [tilespmem:s13+$0x1000];
	_ =	sdelay $0x4  }
0x8f: {  	[tilespmem:s14+$0x4080] =	vst.msk @!p0 vm1, v7  }
0x90: {  	v7 =	vld @!p0 [tilespmem:s13+$0x1800];
	_ =	sdelay $0x4  }
0x91: {  	[tilespmem:s14+$0x4880] =	vst.msk @!p0 vm1, v7  }
0x92: {  	v7 =	vld @!p0 [tilespmem:s13+$0x2000]  }
0x93: {  	s4 =	sadd.s32 s14, s16  }
0x94: {  	s4 =	sadd.s32 $0x3F, s4  }
0x95: {  	s17 =	sand.u32 $0x3F, s4  }
0x96: {  	s16 =	sshra.s32 s4, $0x1F;
	p2 =	slt.s32 s4, $0x1;
	p6 =	sne.s32 s17, $0x0  }
0x97: {  	s17 =	sshrl.u32 s16, $0x1A;
	p1 =	por !p2, !p6;
	[tilespmem:s14+$0x5080] =	vst.msk @!p0 vm1, v7  }
0x98: {  	s4 =	sadd.s32 s17, s4;
	p1 =	por !p1, !p1;
	v7 =	vld @!p0 [tilespmem:s13+$0x2800];
	s13 =	simm.s32 $0x1  }
0x99: {  	s4 =	sshra.s32 s4, $0x6;
	s13 =	simm.s32 @!p1 $0x0  }
0x9a: {  	s13 =	ssub.s32 s4, s13  }
0x9b: {  	p1 =	slt.s32 s13, $0x1  }
.Ltmp7:
0x9c: {  	_ = 	snop;
	(pc) =	sbr.rel @p1 .LBB2_10-.Ltmp7, $2  }
0x9d: {  	_ =	sdelay $0x2  }
0x9e: {  	[tilespmem:s14+$0x5880] =	vst.msk @!p0 vm1, v7;
	s14 =	simm.s32 $0x3020  }
.LBB2_9:
0x9f: {  	v7 =	vld [tilespmem:s14+$0xFFFFFFE0];
	_ =	sdelay $0x4  }
0xa0: {  	[tilespmem:$0x3800] =	vst v7  }
0xa1: {  	v8 =	vld [tilespmem:s14+$0xFFFFFFF0];
	_ =	sdelay $0x4  }
0xa2: {  	[tilespmem:$0x3810] =	vst v8  }
0xa3: {  	v8 =	vld [tilespmem:s14+$0x0];
	_ =	sdelay $0x1  }
0xa4: {  	v9 =	vshll.u32 v7, $0x2  }
0xa5: {  	v7 =	vand.u32 $0x7, v7;
	v9 =	vand.u32 $0xFFFFFFE0, v9  }
0xa6: {  	v7 =	vor.u32 v7, v9  }
0xa7: {  	[tilespmem:$0x3820] =	vst v8;
	v8 =	vperm.xlane v7, v4  }
0xa8: {  	v63 =	vld [tilespmem:s14+$0x10]  }
0xa9: {  	v8 =	vadd.s32 v5, v8;
	_ =	sdelay $0x1  }
0xaa: {  	v7 =	vperm.xlane v7, v6;
	_ =	sdelay $0x1  }
0xab: {  	v7 =	vadd.s32 v5, v7;
	[tilespmem:$0x3830] =	vst v63  }
0xac: {  	[tilespmem:s19], [sflag:$0x1] =	stream.indirect_vreg.gather [hbm4b:s9+s3], $0x80, v8, vm0, $0xb8;
	[tilespmem:$0x18080] =	vst v63  }
0xad: {  	_ = 	snop  }
0xae: {  	[tilespmem:s20], [sflag:$0x1] =	stream.indirect_vreg.gather [hbm4b:s10+s3], $0x80, v8, vm0, $0xb8;
	[tilespmem:$0x18080] =	vst v63  }
0xaf: {  	_ = 	snop  }
0xb0: {  	[tilespmem:s21], [sflag:$0x1] =	stream.indirect_vreg.gather [hbm4b:s9+s3], $0x80, v7, vm0, $0xb8;
	[tilespmem:$0x18080] =	vst v63  }
0xb1: {  	_ = 	snop  }
0xb2: {  	[tilespmem:s22], [sflag:$0x1] =	stream.indirect_vreg.gather [hbm4b:s10+s3], $0x80, v7, vm0, $0xb8;
	[tilespmem:$0x18080] =	vst v63  }
0xb3: {  	v7 =	vld [tilespmem:$0x3810];
	_ =	sdelay $0x4  }
0xb4: {  	v8 =	vshll.u32 v7, $0x2  }
0xb5: {  	v7 =	vand.u32 $0x7, v7;
	v8 =	vand.u32 $0xFFFFFFE0, v8  }
0xb6: {  	v7 =	vor.u32 v7, v8  }
0xb7: {  	v8 =	vperm.xlane v7, v4;
	_ =	sdelay $0x1  }
0xb8: {  	v8 =	vadd.s32 v5, v8;
	_ =	sdelay $0x1  }
0xb9: {  	v7 =	vperm.xlane v7, v6;
	_ =	sdelay $0x1  }
0xba: {  	v7 =	vadd.s32 v5, v7  }
0xbb: {  	[tilespmem:s23], [sflag:$0x1] =	stream.indirect_vreg.gather [hbm4b:s9+s3], $0x80, v8, vm0, $0xb8;
	[tilespmem:$0x18080] =	vst v63  }
0xbc: {  	_ = 	snop  }
0xbd: {  	[tilespmem:s24], [sflag:$0x1] =	stream.indirect_vreg.gather [hbm4b:s10+s3], $0x80, v8, vm0, $0xb8;
	[tilespmem:$0x18080] =	vst v63  }
0xbe: {  	_ = 	snop  }
0xbf: {  	[tilespmem:s25], [sflag:$0x1] =	stream.indirect_vreg.gather [hbm4b:s9+s3], $0x80, v7, vm0, $0xb8;
	[tilespmem:$0x18080] =	vst v63  }
0xc0: {  	_ = 	snop  }
0xc1: {  	[tilespmem:s26], [sflag:$0x1] =	stream.indirect_vreg.gather [hbm4b:s10+s3], $0x80, v7, vm0, $0xb8;
	[tilespmem:$0x18080] =	vst v63  }
0xc2: {  	v7 =	vld [tilespmem:$0x3820];
	_ =	sdelay $0x4  }
0xc3: {  	v8 =	vshll.u32 v7, $0x2  }
0xc4: {  	v7 =	vand.u32 $0x7, v7;
	v8 =	vand.u32 $0xFFFFFFE0, v8  }
0xc5: {  	v7 =	vor.u32 v7, v8  }
0xc6: {  	v8 =	vperm.xlane v7, v4;
	_ =	sdelay $0x1  }
0xc7: {  	v8 =	vadd.s32 v5, v8;
	_ =	sdelay $0x1  }
0xc8: {  	v7 =	vperm.xlane v7, v6;
	_ =	sdelay $0x1  }
0xc9: {  	v7 =	vadd.s32 v5, v7  }
0xca: {  	[tilespmem:s28], [sflag:$0x1] =	stream.indirect_vreg.gather [hbm4b:s9+s3], $0x80, v8, vm0, $0xb8;
	[tilespmem:$0x18080] =	vst v63  }
0xcb: {  	_ = 	snop  }
0xcc: {  	[tilespmem:s29], [sflag:$0x1] =	stream.indirect_vreg.gather [hbm4b:s10+s3], $0x80, v8, vm0, $0xb8;
	[tilespmem:$0x18080] =	vst v63  }
0xcd: {  	_ = 	snop  }
0xce: {  	[tilespmem:s30], [sflag:$0x1] =	stream.indirect_vreg.gather [hbm4b:s9+s3], $0x80, v7, vm0, $0xb8;
	[tilespmem:$0x18080] =	vst v63  }
0xcf: {  	_ = 	snop  }
0xd0: {  	[tilespmem:s31], [sflag:$0x1] =	stream.indirect_vreg.gather [hbm4b:s10+s3], $0x80, v7, vm0, $0xb8;
	[tilespmem:$0x18080] =	vst v63  }
0xd1: {  	v7 =	vld [tilespmem:$0x3830];
	_ =	sdelay $0x4  }
0xd2: {  	v8 =	vshll.u32 v7, $0x2  }
0xd3: {  	v7 =	vand.u32 $0x7, v7;
	v8 =	vand.u32 $0xFFFFFFE0, v8  }
0xd4: {  	v7 =	vor.u32 v7, v8  }
0xd5: {  	v8 =	vperm.xlane v7, v4;
	_ =	sdelay $0x1  }
0xd6: {  	v8 =	vadd.s32 v5, v8;
	_ =	sdelay $0x1  }
0xd7: {  	v7 =	vperm.xlane v7, v6;
	_ =	sdelay $0x1  }
0xd8: {  	v7 =	vadd.s32 v5, v7  }
0xd9: {  	[tilespmem:s0], [sflag:$0x1] =	stream.indirect_vreg.gather [hbm4b:s9+s3], $0x80, v8, vm0, $0xb8;
	[tilespmem:$0x18080] =	vst v63  }
0xda: {  	_ = 	snop  }
0xdb: {  	[tilespmem:s2], [sflag:$0x1] =	stream.indirect_vreg.gather [hbm4b:s10+s3], $0x80, v8, vm0, $0xb8;
	[tilespmem:$0x18080] =	vst v63  }
0xdc: {  	p0 =	sne.s32 s13, $0x1  }
0xdd: {  	[tilespmem:s11], [sflag:$0x1] =	stream.indirect_vreg.gather [hbm4b:s9+s3], $0x80, v7, vm0, $0xb8;
	[tilespmem:$0x18080] =	vst v63  }
.Ltmp8:
0xde: {  	_ = 	snop;
	(pc) =	sbr.rel @p0 .LBB2_9-.Ltmp8, $4  }
0xdf: {  	[tilespmem:s12], [sflag:$0x1] =	stream.indirect_vreg.gather [hbm4b:s10+s3], $0x80, v7, vm0, $0xb8;
	[tilespmem:$0x18080] =	vst v63  }
0xe0: {  	_ =	swait.ge [sflag:s18], $0x8000  }
0xe1: {  	[sflag:s18] =	ssyncset.done $0x0  }
0xe2: {  	s13 =	sadd.s32 $0xFFFFFFFF, s13;
	s14 =	sadd.s32 $0x40, s14;
	[sflag:s18] =	ssyncadd.s32 $0xFFFF8000  }
.Ltmp9:
0xe3: {  	_ = 	snop;
	(pc) =	sbr.rel .LBB2_10-.Ltmp9, $1  }
0xe4: {  	_ =	sdelay $0x3  }
.LBB2_12:
0xe5: {  	_ =	sfence.sel $0x180000  }
0xe6: {  	[bflag:$0x0] =	sbarrier.arrive $0xFFFF  }
0xe7: {  	_ =	strace $0x90000047  }
0xe8: {  	s0 =	stileid.u32;
	[bflag:$0x2] =	sbarrier.arrive $0xFFFF  }
0xe9: {  	p0 =	sne.s32 s0, $0x0;
	s0 =	rddreg [dreg:$0x1]  }
0xea: {  	s0 =	sadd.s32 @!p0 $0x100000, s0  }
0xeb: {  	[sflag:s0] =	ssyncadd.tile.s32 @!p0 $0x1;
	_ =	shalt  }
.Lfunc_end2:
_tile_overlayer_lowered:
.L_overlay_start_2:
0xec: {  	(tag) =	ssettag $0x2  }
0xed: {  	s0 =	rddreg [dreg:$0x0];
	s2 =	stileid.u32  }
0xee: {  	s1 =	rddreg [dreg:$0x1];
	p0 =	sne.s32 s2, $0x0  }
0xef: {  	s3 =	rddreg [dreg:$0x2];
	[bflag:$0x3] =	sbarrier.arrive $0xFFFF;
	s2 =	simm.s32 @!p0 $0x1C02  }
0xf0: {  	[timem:s3], [sflag:s2] =	dma.local @!p0 [hbm:s0], s1  }
0xf1: {  	s0 =	simm.s32 @!p0 $0x2  }
0xf2: {  	_ =	swait.ge @!p0 [sflag:s0], s1  }
0xf3: {  	s1 =	ssub.s32 @!p0 $0x0, s1;
	[sflag:s0] =	ssyncset.done @!p0 $0x0  }
0xf4: {  	[sflag:s0] =	ssyncadd.s32 @!p0 s1  }
0xf5: {  	[bflag:$0x3] =	sbarrier.arrive $0xFFFF  }
0xf6: {  	_ =	shalt  }

</sc_bundles>
